<compile_context>
chip_gen: v7x
topology: tpu7x:2x2x1
jax: 0.10.2.dev20260603
libtpu: 0.0.44.dev20260713+nightly
codegen_flags: <defaults>
</compile_context>

<pallas_src>
import functools

import jax
import jax.numpy as jnp
from jax import lax
from jax.experimental import pallas as pl
from jax.experimental.pallas import tpu as pltpu
from jax.experimental.pallas import tpu_sc as plsc

D = 32
NC, NS = 2, 16
NW = NC * NS
CHUNK = 256
K = 4


def _gather_rows(idx, table, b_per_w, n_chunks):
    n_outer = n_chunks // K
    rows_per_step = K * CHUNK
    mesh = plsc.VectorSubcoreMesh(core_axis_name="c", subcore_axis_name="s")

    @functools.partial(
        pl.kernel,
        out_type=jax.ShapeDtypeStruct((NW * b_per_w, D), jnp.float32),
        mesh=mesh,
        compiler_params=pltpu.CompilerParams(use_tc_tiling_on_sc=False),
        scratch_types=[
            pltpu.VMEM((n_chunks, CHUNK), jnp.int32),
            pltpu.VMEM((rows_per_step, D), jnp.float32),
            pltpu.VMEM((rows_per_step, D), jnp.float32),
            pltpu.SemaphoreType.DMA,
            pltpu.SemaphoreType.DMA,
            pltpu.SemaphoreType.DMA,
            pltpu.SemaphoreType.DMA,
        ],
    )
    def k(idx_hbm, table_hbm, out_hbm, idx_v, rows0, rows1, g0, g1, o0, o1):
        wid = lax.axis_index("s") * NC + lax.axis_index("c")
        base = wid * b_per_w
        pltpu.sync_copy(idx_hbm.at[wid], idx_v)
        rows = (rows0, rows1)
        gsem = (g0, g1)
        osem = (o0, o1)

        def fire(j, buf):
            for kk in range(K):
                pltpu.async_copy(
                    table_hbm.at[idx_v.at[j * K + kk]],
                    rows[buf].at[pl.ds(kk * CHUNK, CHUNK)],
                    gsem[buf],
                )

        def drain_gathers(j, buf):
            for kk in range(K):
                pltpu.make_async_copy(
                    table_hbm.at[idx_v.at[j * K + kk]],
                    rows[buf].at[pl.ds(kk * CHUNK, CHUNK)],
                    gsem[buf],
                ).wait()

        def out_copy(j, buf):
            pltpu.async_copy(
                rows[buf],
                out_hbm.at[pl.ds(base + j * rows_per_step, rows_per_step)],
                osem[buf],
            )

        def drain_out(j, buf):
            pltpu.make_async_copy(
                rows[buf],
                out_hbm.at[pl.ds(base + j * rows_per_step, rows_per_step)],
                osem[buf],
            ).wait()

        fire(0, 0)

        def body(j, _):
            buf = lax.rem(j, 2)
            for b in (0, 1):
                @pl.when(buf == b)
                def _():
                    @pl.when(j >= 2)
                    def _():
                        drain_out(j - 2, b)
                    fire(j, b)
                    drain_gathers(j - 1, 1 - b)
                    out_copy(j - 1, 1 - b)
            return 0

        lax.fori_loop(1, n_outer, body, 0, unroll=False)
        last = n_outer - 1
        lastbuf = last % 2
        if n_outer >= 2:
            drain_out(last - 1, 1 - lastbuf)
        drain_gathers(last, lastbuf)
        out_copy(last, lastbuf)
        drain_out(last, lastbuf)

    return k(idx, table)


def kernel(indices, table):
    B, S = indices.shape
    total = B * S
    b_per_w = total // NW
    n_chunks = b_per_w // CHUNK
    idx = indices.astype(jnp.int32).reshape(NW, n_chunks, CHUNK)
    out = _gather_rows(idx, table, b_per_w, n_chunks)
    return out.reshape(B, S, D)

# --- scband reference (transcript-rebuilt; emitter-appended) ---
"""Pipeline reference for scband-text-classifier-39187281609226 (READ-ONLY COPY).

The authoritative reference and input builder live on the scoring server;
editing this copy changes nothing except your own understanding.
"""

import jax, jax.numpy as jnp
import numpy as np

VOCAB = 1000000
EMBED_DIM = 32
BATCH = 4096
SEQ = 200


def setup_inputs(seed: int = 0) -> dict:
    key = jax.random.key(seed)
    k_idx, k_tab = jax.random.split(key)
    indices = jax.random.randint(k_idx, (BATCH, SEQ), 0, VOCAB, dtype=jnp.int64 if jax.config.jax_enable_x64 else jnp.int32)
    table = jax.random.normal(k_tab, (VOCAB, EMBED_DIM), dtype=jnp.float32)
    # padding_idx=0 -> row 0 is zeros (torch nn.Embedding initializes padding row to zero)
    table = table.at[0].set(0.0)
    return {"indices": indices, "table": table}


def reference(indices, table):
    # TextClassifier.forward: x = self.embedding(indices); return self.model(x)
    # CVKAN body is external/unavailable; with use_identity_block the polarizing
    # blocks are identity, so the SparseCore-relevant computation is the
    # embedding gather itself.
    x = jnp.take(table, indices, axis=0)
    return x

if __name__ == "__main__":
    import jax
    _d = setup_inputs()
    print(jax.jit(kernel)(*tuple(_d.values())))

</pallas_src>

<mosaic_0001>
#map = affine_map<(d0, d1) -> (0, 0, 0)>
#map1 = affine_map<(d0, d1) -> (0, 0)>
module attributes {stable_mosaic.version = 14 : i64} {
  func.func @k(%arg0: i32, %arg1: i32, %arg2: memref<32x100x256xi32, #tpu.memory_space<hbm>>, %arg3: memref<1000000x32xf32, #tpu.memory_space<hbm>>, %arg4: memref<819200x32xf32, #tpu.memory_space<hbm>>, %arg5: memref<100x256xi32, #tpu.memory_space<vmem>>, %arg6: memref<1024x32xf32, #tpu.memory_space<vmem>>, %arg7: memref<1024x32xf32, #tpu.memory_space<vmem>>, %arg8: memref<!tpu.dma_semaphore, #tpu.memory_space<semaphore_mem>>, %arg9: memref<!tpu.dma_semaphore, #tpu.memory_space<semaphore_mem>>, %arg10: memref<!tpu.dma_semaphore, #tpu.memory_space<semaphore_mem>>, %arg11: memref<!tpu.dma_semaphore, #tpu.memory_space<semaphore_mem>>) attributes {dimension_semantics = [#tpu.dimension_semantics<core_parallel>, #tpu.dimension_semantics<subcore_parallel>], iteration_bounds = array<i64: 2, 16>, scalar_prefetch = 0 : i64, scratch_operands = 7 : i64, tpu.core_type = #tpu.core_type<sc_vector_subcore>, window_params = [{transform_indices = #map}, {transform_indices = #map1}, {transform_indices = #map1}]} {
    %mul3A = arith.constant 2 : i32
    %mul3A_0 = arith.muli %arg1, %mul3A : i32
    %add3A = arith.addi %mul3A_0, %arg0 : i32
    %mul3A_1 = arith.constant 25600 : i32
    %mul3A_2 = arith.muli %add3A, %mul3A_1 : i32
    "tpu.region"() ({
      %run_scoped3A = tpu.sem_alloc : memref<!tpu.dma_semaphore, #tpu.memory_space<semaphore_mem>>
      %dma_start3A_105 = arith.constant 0 : i32
      %dma_start3A_106 = arith.constant 0 : i32
      %dma_start3A_107 = tpu.memref_slice %arg2[%add3A, %dma_start3A_105, %dma_start3A_106] : memref<32x100x256xi32, #tpu.memory_space<hbm>> -> memref<1x100x256xi32, #tpu.memory_space<hbm>>
      %dma_start3A_108 = tpu.memref_squeeze %dma_start3A_107 : memref<1x100x256xi32, #tpu.memory_space<hbm>> -> memref<100x256xi32, #tpu.memory_space<hbm>>
      %dma_start3A_109 = arith.constant 0 : i32
      %dma_start3A_110 = arith.constant 0 : i32
      %dma_start3A_111 = tpu.memref_slice %arg2[%add3A, %dma_start3A_109, %dma_start3A_110] : memref<32x100x256xi32, #tpu.memory_space<hbm>> -> memref<1x100x256xi32, #tpu.memory_space<hbm>>
      %dma_start3A_112 = tpu.memref_squeeze %dma_start3A_111 : memref<1x100x256xi32, #tpu.memory_space<hbm>> -> memref<100x256xi32, #tpu.memory_space<hbm>>
      tpu.enqueue_dma source(%dma_start3A_112 : memref<100x256xi32, #tpu.memory_space<hbm>>) target(%arg5 : memref<100x256xi32, #tpu.memory_space<vmem>>) target_semaphore(%run_scoped3A : memref<!tpu.dma_semaphore, #tpu.memory_space<semaphore_mem>>)
      %dma_wait3A_113 = arith.constant 0 : i32
      %dma_wait3A_114 = arith.constant 0 : i32
      %dma_wait3A_115 = tpu.memref_slice %arg2[%add3A, %dma_wait3A_113, %dma_wait3A_114] : memref<32x100x256xi32, #tpu.memory_space<hbm>> -> memref<1x100x256xi32, #tpu.memory_space<hbm>>
      %dma_wait3A_116 = tpu.memref_squeeze %dma_wait3A_115 : memref<1x100x256xi32, #tpu.memory_space<hbm>> -> memref<100x256xi32, #tpu.memory_space<hbm>>
      %dma_wait3A_117 = arith.constant 0 : i32
      %dma_wait3A_118 = arith.constant 0 : i32
      %dma_wait3A_119 = tpu.memref_slice %arg2[%add3A, %dma_wait3A_117, %dma_wait3A_118] : memref<32x100x256xi32, #tpu.memory_space<hbm>> -> memref<1x100x256xi32, #tpu.memory_space<hbm>>
      %dma_wait3A_120 = tpu.memref_squeeze %dma_wait3A_119 : memref<1x100x256xi32, #tpu.memory_space<hbm>> -> memref<100x256xi32, #tpu.memory_space<hbm>>
      tpu.wait_dma2 semaphore(%run_scoped3A : memref<!tpu.dma_semaphore, #tpu.memory_space<semaphore_mem>>) src(%dma_wait3A_120 : memref<100x256xi32, #tpu.memory_space<hbm>>) dst(%arg5 : memref<100x256xi32, #tpu.memory_space<vmem>>)
      tpu.yield
    }) : () -> ()
    %dma_start3A = arith.constant 0 : i32
    %dma_start3A_3 = arith.constant 0 : i32
    %dma_start3A_4 = arith.constant 0 : i32
    %dma_start3A_5 = tpu.memref_slice %arg6[%dma_start3A_3, %dma_start3A_4] : memref<1024x32xf32, #tpu.memory_space<vmem>> -> memref<256x32xf32, #tpu.memory_space<vmem>>
    %dma_start3A_6 = arith.constant 0 : i32
    %dma_start3A_7 = tpu.memref_slice %arg5[%dma_start3A, %dma_start3A_6] : memref<100x256xi32, #tpu.memory_space<vmem>> -> memref<1x256xi32, #tpu.memory_space<vmem>>
    %dma_start3A_8 = tpu.memref_squeeze %dma_start3A_7 : memref<1x256xi32, #tpu.memory_space<vmem>> -> memref<256xi32, #tpu.memory_space<vmem>>
    %dma_start3A_9 = arith.constant 0 : i32
    %dma_start3A_10 = arith.constant 0 : i32
    %dma_start3A_11 = tpu.memref_slice %arg3[%dma_start3A_9, %dma_start3A_10] : memref<1000000x32xf32, #tpu.memory_space<hbm>> -> memref<1000000x32xf32, #tpu.memory_space<hbm>>
    tpu.enqueue_indirect_dma source(%dma_start3A_11 : memref<1000000x32xf32, #tpu.memory_space<hbm>>) target(%dma_start3A_5 : memref<256x32xf32, #tpu.memory_space<vmem>>) offsets(%dma_start3A_8 : memref<256xi32, #tpu.memory_space<vmem>>) semaphore(%arg8 : memref<!tpu.dma_semaphore, #tpu.memory_space<semaphore_mem>>)
    %dma_start3A_12 = arith.constant 1 : i32
    %dma_start3A_13 = arith.constant 256 : i32
    %dma_start3A_14 = arith.constant 0 : i32
    %dma_start3A_15 = tpu.memref_slice %arg6[%dma_start3A_13, %dma_start3A_14] : memref<1024x32xf32, #tpu.memory_space<vmem>> -> memref<256x32xf32, #tpu.memory_space<vmem>>
    %dma_start3A_16 = arith.constant 0 : i32
    %dma_start3A_17 = tpu.memref_slice %arg5[%dma_start3A_12, %dma_start3A_16] : memref<100x256xi32, #tpu.memory_space<vmem>> -> memref<1x256xi32, #tpu.memory_space<vmem>>
    %dma_start3A_18 = tpu.memref_squeeze %dma_start3A_17 : memref<1x256xi32, #tpu.memory_space<vmem>> -> memref<256xi32, #tpu.memory_space<vmem>>
    %dma_start3A_19 = arith.constant 0 : i32
    %dma_start3A_20 = arith.constant 0 : i32
    %dma_start3A_21 = tpu.memref_slice %arg3[%dma_start3A_19, %dma_start3A_20] : memref<1000000x32xf32, #tpu.memory_space<hbm>> -> memref<1000000x32xf32, #tpu.memory_space<hbm>>
    tpu.enqueue_indirect_dma source(%dma_start3A_21 : memref<1000000x32xf32, #tpu.memory_space<hbm>>) target(%dma_start3A_15 : memref<256x32xf32, #tpu.memory_space<vmem>>) offsets(%dma_start3A_18 : memref<256xi32, #tpu.memory_space<vmem>>) semaphore(%arg8 : memref<!tpu.dma_semaphore, #tpu.memory_space<semaphore_mem>>)
    %dma_start3A_22 = arith.constant 2 : i32
    %dma_start3A_23 = arith.constant 512 : i32
    %dma_start3A_24 = arith.constant 0 : i32
    %dma_start3A_25 = tpu.memref_slice %arg6[%dma_start3A_23, %dma_start3A_24] : memref<1024x32xf32, #tpu.memory_space<vmem>> -> memref<256x32xf32, #tpu.memory_space<vmem>>
    %dma_start3A_26 = arith.constant 0 : i32
    %dma_start3A_27 = tpu.memref_slice %arg5[%dma_start3A_22, %dma_start3A_26] : memref<100x256xi32, #tpu.memory_space<vmem>> -> memref<1x256xi32, #tpu.memory_space<vmem>>
    %dma_start3A_28 = tpu.memref_squeeze %dma_start3A_27 : memref<1x256xi32, #tpu.memory_space<vmem>> -> memref<256xi32, #tpu.memory_space<vmem>>
    %dma_start3A_29 = arith.constant 0 : i32
    %dma_start3A_30 = arith.constant 0 : i32
    %dma_start3A_31 = tpu.memref_slice %arg3[%dma_start3A_29, %dma_start3A_30] : memref<1000000x32xf32, #tpu.memory_space<hbm>> -> memref<1000000x32xf32, #tpu.memory_space<hbm>>
    tpu.enqueue_indirect_dma source(%dma_start3A_31 : memref<1000000x32xf32, #tpu.memory_space<hbm>>) target(%dma_start3A_25 : memref<256x32xf32, #tpu.memory_space<vmem>>) offsets(%dma_start3A_28 : memref<256xi32, #tpu.memory_space<vmem>>) semaphore(%arg8 : memref<!tpu.dma_semaphore, #tpu.memory_space<semaphore_mem>>)
    %dma_start3A_32 = arith.constant 3 : i32
    %dma_start3A_33 = arith.constant 768 : i32
    %dma_start3A_34 = arith.constant 0 : i32
    %dma_start3A_35 = tpu.memref_slice %arg6[%dma_start3A_33, %dma_start3A_34] : memref<1024x32xf32, #tpu.memory_space<vmem>> -> memref<256x32xf32, #tpu.memory_space<vmem>>
    %dma_start3A_36 = arith.constant 0 : i32
    %dma_start3A_37 = tpu.memref_slice %arg5[%dma_start3A_32, %dma_start3A_36] : memref<100x256xi32, #tpu.memory_space<vmem>> -> memref<1x256xi32, #tpu.memory_space<vmem>>
    %dma_start3A_38 = tpu.memref_squeeze %dma_start3A_37 : memref<1x256xi32, #tpu.memory_space<vmem>> -> memref<256xi32, #tpu.memory_space<vmem>>
    %dma_start3A_39 = arith.constant 0 : i32
    %dma_start3A_40 = arith.constant 0 : i32
    %dma_start3A_41 = tpu.memref_slice %arg3[%dma_start3A_39, %dma_start3A_40] : memref<1000000x32xf32, #tpu.memory_space<hbm>> -> memref<1000000x32xf32, #tpu.memory_space<hbm>>
    tpu.enqueue_indirect_dma source(%dma_start3A_41 : memref<1000000x32xf32, #tpu.memory_space<hbm>>) target(%dma_start3A_35 : memref<256x32xf32, #tpu.memory_space<vmem>>) offsets(%dma_start3A_38 : memref<256xi32, #tpu.memory_space<vmem>>) semaphore(%arg8 : memref<!tpu.dma_semaphore, #tpu.memory_space<semaphore_mem>>)
    %scan3A = arith.constant 0 : i32
    %scan3A_42 = arith.constant 1 : i32
    %scan3A_43 = arith.constant 24 : i32
    %scan3A_44 = arith.addi %scan3A_42, %scan3A_43 : i32
    %scan3A_45 = arith.constant 1 : i32
    %scan3A_46 = scf.for %scan3A_105 = %scan3A_42 to %scan3A_44 step %scan3A_45 iter_args(%scan3A_106 = %scan3A) -> (i32)  : i32 {
      %rem3A = arith.constant 2 : i32
      %rem3A_107 = arith.remsi %scan3A_105, %rem3A : i32
      %eq3A = arith.constant 0 : i32
      %eq3A_108 = arith.cmpi eq, %rem3A_107, %eq3A : i32
      %convert_element_type3A = arith.extui %eq3A_108 : i1 to i32
      %cond3A = arith.constant 0 : i32
      %cond3A_109 = arith.cmpi ne, %convert_element_type3A, %cond3A : i32
      scf.if %cond3A_109 {
        %ge3A = arith.constant 2 : i32
        %ge3A_116 = arith.cmpi sge, %scan3A_105, %ge3A : i32
        %convert_element_type3A_117 = arith.extui %ge3A_116 : i1 to i32
        %cond3A_118 = arith.constant 0 : i32
        %cond3A_119 = arith.cmpi ne, %convert_element_type3A_117, %cond3A_118 : i32
        scf.if %cond3A_119 {
          %sub3A_234 = arith.constant 2 : i32
          %sub3A_235 = arith.subi %scan3A_105, %sub3A_234 : i32
          %mul3A_236 = arith.constant 1024 : i32
          %mul3A_237 = arith.muli %sub3A_235, %mul3A_236 : i32
          %add3A_238 = arith.addi %mul3A_2, %mul3A_237 : i32
          %dma_wait3A_239 = arith.constant 0 : i32
          %dma_wait3A_240 = tpu.memref_slice %arg4[%add3A_238, %dma_wait3A_239] : memref<819200x32xf32, #tpu.memory_space<hbm>> -> memref<1024x32xf32, #tpu.memory_space<hbm>>
          %dma_wait3A_241 = arith.constant 0 : i32
          %dma_wait3A_242 = tpu.memref_slice %arg4[%add3A_238, %dma_wait3A_241] : memref<819200x32xf32, #tpu.memory_space<hbm>> -> memref<1024x32xf32, #tpu.memory_space<hbm>>
          tpu.wait_dma2 semaphore(%arg10 : memref<!tpu.dma_semaphore, #tpu.memory_space<semaphore_mem>>) src(%arg6 : memref<1024x32xf32, #tpu.memory_space<vmem>>) dst(%dma_wait3A_242 : memref<1024x32xf32, #tpu.memory_space<hbm>>)
        } else {
        }
        %mul3A_120 = arith.constant 4 : i32
        %mul3A_121 = arith.muli %scan3A_105, %mul3A_120 : i32
        %add3A_122 = arith.constant 0 : i32
        %add3A_123 = arith.addi %mul3A_121, %add3A_122 : i32
        %dma_start3A_124 = arith.constant 0 : i32
        %dma_start3A_125 = arith.constant 0 : i32
        %dma_start3A_126 = tpu.memref_slice %arg6[%dma_start3A_124, %dma_start3A_125] : memref<1024x32xf32, #tpu.memory_space<vmem>> -> memref<256x32xf32, #tpu.memory_space<vmem>>
        %dma_start3A_127 = arith.constant 0 : i32
        %dma_start3A_128 = tpu.memref_slice %arg5[%add3A_123, %dma_start3A_127] : memref<100x256xi32, #tpu.memory_space<vmem>> -> memref<1x256xi32, #tpu.memory_space<vmem>>
        %dma_start3A_129 = tpu.memref_squeeze %dma_start3A_128 : memref<1x256xi32, #tpu.memory_space<vmem>> -> memref<256xi32, #tpu.memory_space<vmem>>
        %dma_start3A_130 = arith.constant 0 : i32
        %dma_start3A_131 = arith.constant 0 : i32
        %dma_start3A_132 = tpu.memref_slice %arg3[%dma_start3A_130, %dma_start3A_131] : memref<1000000x32xf32, #tpu.memory_space<hbm>> -> memref<1000000x32xf32, #tpu.memory_space<hbm>>
        tpu.enqueue_indirect_dma source(%dma_start3A_132 : memref<1000000x32xf32, #tpu.memory_space<hbm>>) target(%dma_start3A_126 : memref<256x32xf32, #tpu.memory_space<vmem>>) offsets(%dma_start3A_129 : memref<256xi32, #tpu.memory_space<vmem>>) semaphore(%arg8 : memref<!tpu.dma_semaphore, #tpu.memory_space<semaphore_mem>>)
        %mul3A_133 = arith.constant 4 : i32
        %mul3A_134 = arith.muli %scan3A_105, %mul3A_133 : i32
        %add3A_135 = arith.constant 1 : i32
        %add3A_136 = arith.addi %mul3A_134, %add3A_135 : i32
        %dma_start3A_137 = arith.constant 256 : i32
        %dma_start3A_138 = arith.constant 0 : i32
        %dma_start3A_139 = tpu.memref_slice %arg6[%dma_start3A_137, %dma_start3A_138] : memref<1024x32xf32, #tpu.memory_space<vmem>> -> memref<256x32xf32, #tpu.memory_space<vmem>>
        %dma_start3A_140 = arith.constant 0 : i32
        %dma_start3A_141 = tpu.memref_slice %arg5[%add3A_136, %dma_start3A_140] : memref<100x256xi32, #tpu.memory_space<vmem>> -> memref<1x256xi32, #tpu.memory_space<vmem>>
        %dma_start3A_142 = tpu.memref_squeeze %dma_start3A_141 : memref<1x256xi32, #tpu.memory_space<vmem>> -> memref<256xi32, #tpu.memory_space<vmem>>
        %dma_start3A_143 = arith.constant 0 : i32
        %dma_start3A_144 = arith.constant 0 : i32
        %dma_start3A_145 = tpu.memref_slice %arg3[%dma_start3A_143, %dma_start3A_144] : memref<1000000x32xf32, #tpu.memory_space<hbm>> -> memref<1000000x32xf32, #tpu.memory_space<hbm>>
        tpu.enqueue_indirect_dma source(%dma_start3A_145 : memref<1000000x32xf32, #tpu.memory_space<hbm>>) target(%dma_start3A_139 : memref<256x32xf32, #tpu.memory_space<vmem>>) offsets(%dma_start3A_142 : memref<256xi32, #tpu.memory_space<vmem>>) semaphore(%arg8 : memref<!tpu.dma_semaphore, #tpu.memory_space<semaphore_mem>>)
        %mul3A_146 = arith.constant 4 : i32
        %mul3A_147 = arith.muli %scan3A_105, %mul3A_146 : i32
        %add3A_148 = arith.constant 2 : i32
        %add3A_149 = arith.addi %mul3A_147, %add3A_148 : i32
        %dma_start3A_150 = arith.constant 512 : i32
        %dma_start3A_151 = arith.constant 0 : i32
        %dma_start3A_152 = tpu.memref_slice %arg6[%dma_start3A_150, %dma_start3A_151] : memref<1024x32xf32, #tpu.memory_space<vmem>> -> memref<256x32xf32, #tpu.memory_space<vmem>>
        %dma_start3A_153 = arith.constant 0 : i32
        %dma_start3A_154 = tpu.memref_slice %arg5[%add3A_149, %dma_start3A_153] : memref<100x256xi32, #tpu.memory_space<vmem>> -> memref<1x256xi32, #tpu.memory_space<vmem>>
        %dma_start3A_155 = tpu.memref_squeeze %dma_start3A_154 : memref<1x256xi32, #tpu.memory_space<vmem>> -> memref<256xi32, #tpu.memory_space<vmem>>
        %dma_start3A_156 = arith.constant 0 : i32
        %dma_start3A_157 = arith.constant 0 : i32
        %dma_start3A_158 = tpu.memref_slice %arg3[%dma_start3A_156, %dma_start3A_157] : memref<1000000x32xf32, #tpu.memory_space<hbm>> -> memref<1000000x32xf32, #tpu.memory_space<hbm>>
        tpu.enqueue_indirect_dma source(%dma_start3A_158 : memref<1000000x32xf32, #tpu.memory_space<hbm>>) target(%dma_start3A_152 : memref<256x32xf32, #tpu.memory_space<vmem>>) offsets(%dma_start3A_155 : memref<256xi32, #tpu.memory_space<vmem>>) semaphore(%arg8 : memref<!tpu.dma_semaphore, #tpu.memory_space<semaphore_mem>>)
        %mul3A_159 = arith.constant 4 : i32
        %mul3A_160 = arith.muli %scan3A_105, %mul3A_159 : i32
        %add3A_161 = arith.constant 3 : i32
        %add3A_162 = arith.addi %mul3A_160, %add3A_161 : i32
        %dma_start3A_163 = arith.constant 768 : i32
        %dma_start3A_164 = arith.constant 0 : i32
        %dma_start3A_165 = tpu.memref_slice %arg6[%dma_start3A_163, %dma_start3A_164] : memref<1024x32xf32, #tpu.memory_space<vmem>> -> memref<256x32xf32, #tpu.memory_space<vmem>>
        %dma_start3A_166 = arith.constant 0 : i32
        %dma_start3A_167 = tpu.memref_slice %arg5[%add3A_162, %dma_start3A_166] : memref<100x256xi32, #tpu.memory_space<vmem>> -> memref<1x256xi32, #tpu.memory_space<vmem>>
        %dma_start3A_168 = tpu.memref_squeeze %dma_start3A_167 : memref<1x256xi32, #tpu.memory_space<vmem>> -> memref<256xi32, #tpu.memory_space<vmem>>
        %dma_start3A_169 = arith.constant 0 : i32
        %dma_start3A_170 = arith.constant 0 : i32
        %dma_start3A_171 = tpu.memref_slice %arg3[%dma_start3A_169, %dma_start3A_170] : memref<1000000x32xf32, #tpu.memory_space<hbm>> -> memref<1000000x32xf32, #tpu.memory_space<hbm>>
        tpu.enqueue_indirect_dma source(%dma_start3A_171 : memref<1000000x32xf32, #tpu.memory_space<hbm>>) target(%dma_start3A_165 : memref<256x32xf32, #tpu.memory_space<vmem>>) offsets(%dma_start3A_168 : memref<256xi32, #tpu.memory_space<vmem>>) semaphore(%arg8 : memref<!tpu.dma_semaphore, #tpu.memory_space<semaphore_mem>>)
        %sub3A = arith.constant 1 : i32
        %sub3A_172 = arith.subi %scan3A_105, %sub3A : i32
        %mul3A_173 = arith.constant 4 : i32
        %mul3A_174 = arith.muli %sub3A_172, %mul3A_173 : i32
        %add3A_175 = arith.constant 0 : i32
        %add3A_176 = arith.addi %mul3A_174, %add3A_175 : i32
        %dma_wait3A_177 = arith.constant 0 : i32
        %dma_wait3A_178 = arith.constant 0 : i32
        %dma_wait3A_179 = tpu.memref_slice %arg7[%dma_wait3A_177, %dma_wait3A_178] : memref<1024x32xf32, #tpu.memory_space<vmem>> -> memref<256x32xf32, #tpu.memory_space<vmem>>
        %dma_wait3A_180 = arith.constant 0 : i32
        %dma_wait3A_181 = tpu.memref_slice %arg5[%add3A_176, %dma_wait3A_180] : memref<100x256xi32, #tpu.memory_space<vmem>> -> memref<1x256xi32, #tpu.memory_space<vmem>>
        %dma_wait3A_182 = tpu.memref_squeeze %dma_wait3A_181 : memref<1x256xi32, #tpu.memory_space<vmem>> -> memref<256xi32, #tpu.memory_space<vmem>>
        %dma_wait3A_183 = arith.constant 0 : i32
        %dma_wait3A_184 = arith.constant 0 : i32
        %dma_wait3A_185 = tpu.memref_slice %arg3[%dma_wait3A_183, %dma_wait3A_184] : memref<1000000x32xf32, #tpu.memory_space<hbm>> -> memref<1000000x32xf32, #tpu.memory_space<hbm>>
        tpu.wait_indirect_dma semaphore(%arg9 : memref<!tpu.dma_semaphore, #tpu.memory_space<semaphore_mem>>) src(%dma_wait3A_185 : memref<1000000x32xf32, #tpu.memory_space<hbm>>) dst(%dma_wait3A_179 : memref<256x32xf32, #tpu.memory_space<vmem>>)
        %mul3A_186 = arith.constant 4 : i32
        %mul3A_187 = arith.muli %sub3A_172, %mul3A_186 : i32
        %add3A_188 = arith.constant 1 : i32
        %add3A_189 = arith.addi %mul3A_187, %add3A_188 : i32
        %dma_wait3A_190 = arith.constant 256 : i32
        %dma_wait3A_191 = arith.constant 0 : i32
        %dma_wait3A_192 = tpu.memref_slice %arg7[%dma_wait3A_190, %dma_wait3A_191] : memref<1024x32xf32, #tpu.memory_space<vmem>> -> memref<256x32xf32, #tpu.memory_space<vmem>>
        %dma_wait3A_193 = arith.constant 0 : i32
        %dma_wait3A_194 = tpu.memref_slice %arg5[%add3A_189, %dma_wait3A_193] : memref<100x256xi32, #tpu.memory_space<vmem>> -> memref<1x256xi32, #tpu.memory_space<vmem>>
        %dma_wait3A_195 = tpu.memref_squeeze %dma_wait3A_194 : memref<1x256xi32, #tpu.memory_space<vmem>> -> memref<256xi32, #tpu.memory_space<vmem>>
        %dma_wait3A_196 = arith.constant 0 : i32
        %dma_wait3A_197 = arith.constant 0 : i32
        %dma_wait3A_198 = tpu.memref_slice %arg3[%dma_wait3A_196, %dma_wait3A_197] : memref<1000000x32xf32, #tpu.memory_space<hbm>> -> memref<1000000x32xf32, #tpu.memory_space<hbm>>
        tpu.wait_indirect_dma semaphore(%arg9 : memref<!tpu.dma_semaphore, #tpu.memory_space<semaphore_mem>>) src(%dma_wait3A_198 : memref<1000000x32xf32, #tpu.memory_space<hbm>>) dst(%dma_wait3A_192 : memref<256x32xf32, #tpu.memory_space<vmem>>)
        %mul3A_199 = arith.constant 4 : i32
        %mul3A_200 = arith.muli %sub3A_172, %mul3A_199 : i32
        %add3A_201 = arith.constant 2 : i32
        %add3A_202 = arith.addi %mul3A_200, %add3A_201 : i32
        %dma_wait3A_203 = arith.constant 512 : i32
        %dma_wait3A_204 = arith.constant 0 : i32
        %dma_wait3A_205 = tpu.memref_slice %arg7[%dma_wait3A_203, %dma_wait3A_204] : memref<1024x32xf32, #tpu.memory_space<vmem>> -> memref<256x32xf32, #tpu.memory_space<vmem>>
        %dma_wait3A_206 = arith.constant 0 : i32
        %dma_wait3A_207 = tpu.memref_slice %arg5[%add3A_202, %dma_wait3A_206] : memref<100x256xi32, #tpu.memory_space<vmem>> -> memref<1x256xi32, #tpu.memory_space<vmem>>
        %dma_wait3A_208 = tpu.memref_squeeze %dma_wait3A_207 : memref<1x256xi32, #tpu.memory_space<vmem>> -> memref<256xi32, #tpu.memory_space<vmem>>
        %dma_wait3A_209 = arith.constant 0 : i32
        %dma_wait3A_210 = arith.constant 0 : i32
        %dma_wait3A_211 = tpu.memref_slice %arg3[%dma_wait3A_209, %dma_wait3A_210] : memref<1000000x32xf32, #tpu.memory_space<hbm>> -> memref<1000000x32xf32, #tpu.memory_space<hbm>>
        tpu.wait_indirect_dma semaphore(%arg9 : memref<!tpu.dma_semaphore, #tpu.memory_space<semaphore_mem>>) src(%dma_wait3A_211 : memref<1000000x32xf32, #tpu.memory_space<hbm>>) dst(%dma_wait3A_205 : memref<256x32xf32, #tpu.memory_space<vmem>>)
        %mul3A_212 = arith.constant 4 : i32
        %mul3A_213 = arith.muli %sub3A_172, %mul3A_212 : i32
        %add3A_214 = arith.constant 3 : i32
        %add3A_215 = arith.addi %mul3A_213, %add3A_214 : i32
        %dma_wait3A_216 = arith.constant 768 : i32
        %dma_wait3A_217 = arith.constant 0 : i32
        %dma_wait3A_218 = tpu.memref_slice %arg7[%dma_wait3A_216, %dma_wait3A_217] : memref<1024x32xf32, #tpu.memory_space<vmem>> -> memref<256x32xf32, #tpu.memory_space<vmem>>
        %dma_wait3A_219 = arith.constant 0 : i32
        %dma_wait3A_220 = tpu.memref_slice %arg5[%add3A_215, %dma_wait3A_219] : memref<100x256xi32, #tpu.memory_space<vmem>> -> memref<1x256xi32, #tpu.memory_space<vmem>>
        %dma_wait3A_221 = tpu.memref_squeeze %dma_wait3A_220 : memref<1x256xi32, #tpu.memory_space<vmem>> -> memref<256xi32, #tpu.memory_space<vmem>>
        %dma_wait3A_222 = arith.constant 0 : i32
        %dma_wait3A_223 = arith.constant 0 : i32
        %dma_wait3A_224 = tpu.memref_slice %arg3[%dma_wait3A_222, %dma_wait3A_223] : memref<1000000x32xf32, #tpu.memory_space<hbm>> -> memref<1000000x32xf32, #tpu.memory_space<hbm>>
        tpu.wait_indirect_dma semaphore(%arg9 : memref<!tpu.dma_semaphore, #tpu.memory_space<semaphore_mem>>) src(%dma_wait3A_224 : memref<1000000x32xf32, #tpu.memory_space<hbm>>) dst(%dma_wait3A_218 : memref<256x32xf32, #tpu.memory_space<vmem>>)
        %sub3A_225 = arith.constant 1 : i32
        %sub3A_226 = arith.subi %scan3A_105, %sub3A_225 : i32
        %mul3A_227 = arith.constant 1024 : i32
        %mul3A_228 = arith.muli %sub3A_226, %mul3A_227 : i32
        %add3A_229 = arith.addi %mul3A_2, %mul3A_228 : i32
        %dma_start3A_230 = arith.constant 0 : i32
        %dma_start3A_231 = tpu.memref_slice %arg4[%add3A_229, %dma_start3A_230] : memref<819200x32xf32, #tpu.memory_space<hbm>> -> memref<1024x32xf32, #tpu.memory_space<hbm>>
        %dma_start3A_232 = arith.constant 0 : i32
        %dma_start3A_233 = tpu.memref_slice %arg4[%add3A_229, %dma_start3A_232] : memref<819200x32xf32, #tpu.memory_space<hbm>> -> memref<1024x32xf32, #tpu.memory_space<hbm>>
        tpu.enqueue_dma source(%arg7 : memref<1024x32xf32, #tpu.memory_space<vmem>>) target(%dma_start3A_233 : memref<1024x32xf32, #tpu.memory_space<hbm>>) target_semaphore(%arg11 : memref<!tpu.dma_semaphore, #tpu.memory_space<semaphore_mem>>)
      } else {
      }
      %eq3A_110 = arith.constant 1 : i32
      %eq3A_111 = arith.cmpi eq, %rem3A_107, %eq3A_110 : i32
      %convert_element_type3A_112 = arith.extui %eq3A_111 : i1 to i32
      %cond3A_113 = arith.constant 0 : i32
      %cond3A_114 = arith.cmpi ne, %convert_element_type3A_112, %cond3A_113 : i32
      scf.if %cond3A_114 {
        %ge3A = arith.constant 2 : i32
        %ge3A_116 = arith.cmpi sge, %scan3A_105, %ge3A : i32
        %convert_element_type3A_117 = arith.extui %ge3A_116 : i1 to i32
        %cond3A_118 = arith.constant 0 : i32
        %cond3A_119 = arith.cmpi ne, %convert_element_type3A_117, %cond3A_118 : i32
        scf.if %cond3A_119 {
          %sub3A_234 = arith.constant 2 : i32
          %sub3A_235 = arith.subi %scan3A_105, %sub3A_234 : i32
          %mul3A_236 = arith.constant 1024 : i32
          %mul3A_237 = arith.muli %sub3A_235, %mul3A_236 : i32
          %add3A_238 = arith.addi %mul3A_2, %mul3A_237 : i32
          %dma_wait3A_239 = arith.constant 0 : i32
          %dma_wait3A_240 = tpu.memref_slice %arg4[%add3A_238, %dma_wait3A_239] : memref<819200x32xf32, #tpu.memory_space<hbm>> -> memref<1024x32xf32, #tpu.memory_space<hbm>>
          %dma_wait3A_241 = arith.constant 0 : i32
          %dma_wait3A_242 = tpu.memref_slice %arg4[%add3A_238, %dma_wait3A_241] : memref<819200x32xf32, #tpu.memory_space<hbm>> -> memref<1024x32xf32, #tpu.memory_space<hbm>>
          tpu.wait_dma2 semaphore(%arg11 : memref<!tpu.dma_semaphore, #tpu.memory_space<semaphore_mem>>) src(%arg7 : memref<1024x32xf32, #tpu.memory_space<vmem>>) dst(%dma_wait3A_242 : memref<1024x32xf32, #tpu.memory_space<hbm>>)
        } else {
        }
        %mul3A_120 = arith.constant 4 : i32
        %mul3A_121 = arith.muli %scan3A_105, %mul3A_120 : i32
        %add3A_122 = arith.constant 0 : i32
        %add3A_123 = arith.addi %mul3A_121, %add3A_122 : i32
        %dma_start3A_124 = arith.constant 0 : i32
        %dma_start3A_125 = arith.constant 0 : i32
        %dma_start3A_126 = tpu.memref_slice %arg7[%dma_start3A_124, %dma_start3A_125] : memref<1024x32xf32, #tpu.memory_space<vmem>> -> memref<256x32xf32, #tpu.memory_space<vmem>>
        %dma_start3A_127 = arith.constant 0 : i32
        %dma_start3A_128 = tpu.memref_slice %arg5[%add3A_123, %dma_start3A_127] : memref<100x256xi32, #tpu.memory_space<vmem>> -> memref<1x256xi32, #tpu.memory_space<vmem>>
        %dma_start3A_129 = tpu.memref_squeeze %dma_start3A_128 : memref<1x256xi32, #tpu.memory_space<vmem>> -> memref<256xi32, #tpu.memory_space<vmem>>
        %dma_start3A_130 = arith.constant 0 : i32
        %dma_start3A_131 = arith.constant 0 : i32
        %dma_start3A_132 = tpu.memref_slice %arg3[%dma_start3A_130, %dma_start3A_131] : memref<1000000x32xf32, #tpu.memory_space<hbm>> -> memref<1000000x32xf32, #tpu.memory_space<hbm>>
        tpu.enqueue_indirect_dma source(%dma_start3A_132 : memref<1000000x32xf32, #tpu.memory_space<hbm>>) target(%dma_start3A_126 : memref<256x32xf32, #tpu.memory_space<vmem>>) offsets(%dma_start3A_129 : memref<256xi32, #tpu.memory_space<vmem>>) semaphore(%arg9 : memref<!tpu.dma_semaphore, #tpu.memory_space<semaphore_mem>>)
        %mul3A_133 = arith.constant 4 : i32
        %mul3A_134 = arith.muli %scan3A_105, %mul3A_133 : i32
        %add3A_135 = arith.constant 1 : i32
        %add3A_136 = arith.addi %mul3A_134, %add3A_135 : i32
        %dma_start3A_137 = arith.constant 256 : i32
        %dma_start3A_138 = arith.constant 0 : i32
        %dma_start3A_139 = tpu.memref_slice %arg7[%dma_start3A_137, %dma_start3A_138] : memref<1024x32xf32, #tpu.memory_space<vmem>> -> memref<256x32xf32, #tpu.memory_space<vmem>>
        %dma_start3A_140 = arith.constant 0 : i32
        %dma_start3A_141 = tpu.memref_slice %arg5[%add3A_136, %dma_start3A_140] : memref<100x256xi32, #tpu.memory_space<vmem>> -> memref<1x256xi32, #tpu.memory_space<vmem>>
        %dma_start3A_142 = tpu.memref_squeeze %dma_start3A_141 : memref<1x256xi32, #tpu.memory_space<vmem>> -> memref<256xi32, #tpu.memory_space<vmem>>
        %dma_start3A_143 = arith.constant 0 : i32
        %dma_start3A_144 = arith.constant 0 : i32
        %dma_start3A_145 = tpu.memref_slice %arg3[%dma_start3A_143, %dma_start3A_144] : memref<1000000x32xf32, #tpu.memory_space<hbm>> -> memref<1000000x32xf32, #tpu.memory_space<hbm>>
        tpu.enqueue_indirect_dma source(%dma_start3A_145 : memref<1000000x32xf32, #tpu.memory_space<hbm>>) target(%dma_start3A_139 : memref<256x32xf32, #tpu.memory_space<vmem>>) offsets(%dma_start3A_142 : memref<256xi32, #tpu.memory_space<vmem>>) semaphore(%arg9 : memref<!tpu.dma_semaphore, #tpu.memory_space<semaphore_mem>>)
        %mul3A_146 = arith.constant 4 : i32
        %mul3A_147 = arith.muli %scan3A_105, %mul3A_146 : i32
        %add3A_148 = arith.constant 2 : i32
        %add3A_149 = arith.addi %mul3A_147, %add3A_148 : i32
        %dma_start3A_150 = arith.constant 512 : i32
        %dma_start3A_151 = arith.constant 0 : i32
        %dma_start3A_152 = tpu.memref_slice %arg7[%dma_start3A_150, %dma_start3A_151] : memref<1024x32xf32, #tpu.memory_space<vmem>> -> memref<256x32xf32, #tpu.memory_space<vmem>>
        %dma_start3A_153 = arith.constant 0 : i32
        %dma_start3A_154 = tpu.memref_slice %arg5[%add3A_149, %dma_start3A_153] : memref<100x256xi32, #tpu.memory_space<vmem>> -> memref<1x256xi32, #tpu.memory_space<vmem>>
        %dma_start3A_155 = tpu.memref_squeeze %dma_start3A_154 : memref<1x256xi32, #tpu.memory_space<vmem>> -> memref<256xi32, #tpu.memory_space<vmem>>
        %dma_start3A_156 = arith.constant 0 : i32
        %dma_start3A_157 = arith.constant 0 : i32
        %dma_start3A_158 = tpu.memref_slice %arg3[%dma_start3A_156, %dma_start3A_157] : memref<1000000x32xf32, #tpu.memory_space<hbm>> -> memref<1000000x32xf32, #tpu.memory_space<hbm>>
        tpu.enqueue_indirect_dma source(%dma_start3A_158 : memref<1000000x32xf32, #tpu.memory_space<hbm>>) target(%dma_start3A_152 : memref<256x32xf32, #tpu.memory_space<vmem>>) offsets(%dma_start3A_155 : memref<256xi32, #tpu.memory_space<vmem>>) semaphore(%arg9 : memref<!tpu.dma_semaphore, #tpu.memory_space<semaphore_mem>>)
        %mul3A_159 = arith.constant 4 : i32
        %mul3A_160 = arith.muli %scan3A_105, %mul3A_159 : i32
        %add3A_161 = arith.constant 3 : i32
        %add3A_162 = arith.addi %mul3A_160, %add3A_161 : i32
        %dma_start3A_163 = arith.constant 768 : i32
        %dma_start3A_164 = arith.constant 0 : i32
        %dma_start3A_165 = tpu.memref_slice %arg7[%dma_start3A_163, %dma_start3A_164] : memref<1024x32xf32, #tpu.memory_space<vmem>> -> memref<256x32xf32, #tpu.memory_space<vmem>>
        %dma_start3A_166 = arith.constant 0 : i32
        %dma_start3A_167 = tpu.memref_slice %arg5[%add3A_162, %dma_start3A_166] : memref<100x256xi32, #tpu.memory_space<vmem>> -> memref<1x256xi32, #tpu.memory_space<vmem>>
        %dma_start3A_168 = tpu.memref_squeeze %dma_start3A_167 : memref<1x256xi32, #tpu.memory_space<vmem>> -> memref<256xi32, #tpu.memory_space<vmem>>
        %dma_start3A_169 = arith.constant 0 : i32
        %dma_start3A_170 = arith.constant 0 : i32
        %dma_start3A_171 = tpu.memref_slice %arg3[%dma_start3A_169, %dma_start3A_170] : memref<1000000x32xf32, #tpu.memory_space<hbm>> -> memref<1000000x32xf32, #tpu.memory_space<hbm>>
        tpu.enqueue_indirect_dma source(%dma_start3A_171 : memref<1000000x32xf32, #tpu.memory_space<hbm>>) target(%dma_start3A_165 : memref<256x32xf32, #tpu.memory_space<vmem>>) offsets(%dma_start3A_168 : memref<256xi32, #tpu.memory_space<vmem>>) semaphore(%arg9 : memref<!tpu.dma_semaphore, #tpu.memory_space<semaphore_mem>>)
        %sub3A = arith.constant 1 : i32
        %sub3A_172 = arith.subi %scan3A_105, %sub3A : i32
        %mul3A_173 = arith.constant 4 : i32
        %mul3A_174 = arith.muli %sub3A_172, %mul3A_173 : i32
        %add3A_175 = arith.constant 0 : i32
        %add3A_176 = arith.addi %mul3A_174, %add3A_175 : i32
        %dma_wait3A_177 = arith.constant 0 : i32
        %dma_wait3A_178 = arith.constant 0 : i32
        %dma_wait3A_179 = tpu.memref_slice %arg6[%dma_wait3A_177, %dma_wait3A_178] : memref<1024x32xf32, #tpu.memory_space<vmem>> -> memref<256x32xf32, #tpu.memory_space<vmem>>
        %dma_wait3A_180 = arith.constant 0 : i32
        %dma_wait3A_181 = tpu.memref_slice %arg5[%add3A_176, %dma_wait3A_180] : memref<100x256xi32, #tpu.memory_space<vmem>> -> memref<1x256xi32, #tpu.memory_space<vmem>>
        %dma_wait3A_182 = tpu.memref_squeeze %dma_wait3A_181 : memref<1x256xi32, #tpu.memory_space<vmem>> -> memref<256xi32, #tpu.memory_space<vmem>>
        %dma_wait3A_183 = arith.constant 0 : i32
        %dma_wait3A_184 = arith.constant 0 : i32
        %dma_wait3A_185 = tpu.memref_slice %arg3[%dma_wait3A_183, %dma_wait3A_184] : memref<1000000x32xf32, #tpu.memory_space<hbm>> -> memref<1000000x32xf32, #tpu.memory_space<hbm>>
        tpu.wait_indirect_dma semaphore(%arg8 : memref<!tpu.dma_semaphore, #tpu.memory_space<semaphore_mem>>) src(%dma_wait3A_185 : memref<1000000x32xf32, #tpu.memory_space<hbm>>) dst(%dma_wait3A_179 : memref<256x32xf32, #tpu.memory_space<vmem>>)
        %mul3A_186 = arith.constant 4 : i32
        %mul3A_187 = arith.muli %sub3A_172, %mul3A_186 : i32
        %add3A_188 = arith.constant 1 : i32
        %add3A_189 = arith.addi %mul3A_187, %add3A_188 : i32
        %dma_wait3A_190 = arith.constant 256 : i32
        %dma_wait3A_191 = arith.constant 0 : i32
        %dma_wait3A_192 = tpu.memref_slice %arg6[%dma_wait3A_190, %dma_wait3A_191] : memref<1024x32xf32, #tpu.memory_space<vmem>> -> memref<256x32xf32, #tpu.memory_space<vmem>>
        %dma_wait3A_193 = arith.constant 0 : i32
        %dma_wait3A_194 = tpu.memref_slice %arg5[%add3A_189, %dma_wait3A_193] : memref<100x256xi32, #tpu.memory_space<vmem>> -> memref<1x256xi32, #tpu.memory_space<vmem>>
        %dma_wait3A_195 = tpu.memref_squeeze %dma_wait3A_194 : memref<1x256xi32, #tpu.memory_space<vmem>> -> memref<256xi32, #tpu.memory_space<vmem>>
        %dma_wait3A_196 = arith.constant 0 : i32
        %dma_wait3A_197 = arith.constant 0 : i32
        %dma_wait3A_198 = tpu.memref_slice %arg3[%dma_wait3A_196, %dma_wait3A_197] : memref<1000000x32xf32, #tpu.memory_space<hbm>> -> memref<1000000x32xf32, #tpu.memory_space<hbm>>
        tpu.wait_indirect_dma semaphore(%arg8 : memref<!tpu.dma_semaphore, #tpu.memory_space<semaphore_mem>>) src(%dma_wait3A_198 : memref<1000000x32xf32, #tpu.memory_space<hbm>>) dst(%dma_wait3A_192 : memref<256x32xf32, #tpu.memory_space<vmem>>)
        %mul3A_199 = arith.constant 4 : i32
        %mul3A_200 = arith.muli %sub3A_172, %mul3A_199 : i32
        %add3A_201 = arith.constant 2 : i32
        %add3A_202 = arith.addi %mul3A_200, %add3A_201 : i32
        %dma_wait3A_203 = arith.constant 512 : i32
        %dma_wait3A_204 = arith.constant 0 : i32
        %dma_wait3A_205 = tpu.memref_slice %arg6[%dma_wait3A_203, %dma_wait3A_204] : memref<1024x32xf32, #tpu.memory_space<vmem>> -> memref<256x32xf32, #tpu.memory_space<vmem>>
        %dma_wait3A_206 = arith.constant 0 : i32
        %dma_wait3A_207 = tpu.memref_slice %arg5[%add3A_202, %dma_wait3A_206] : memref<100x256xi32, #tpu.memory_space<vmem>> -> memref<1x256xi32, #tpu.memory_space<vmem>>
        %dma_wait3A_208 = tpu.memref_squeeze %dma_wait3A_207 : memref<1x256xi32, #tpu.memory_space<vmem>> -> memref<256xi32, #tpu.memory_space<vmem>>
        %dma_wait3A_209 = arith.constant 0 : i32
        %dma_wait3A_210 = arith.constant 0 : i32
        %dma_wait3A_211 = tpu.memref_slice %arg3[%dma_wait3A_209, %dma_wait3A_210] : memref<1000000x32xf32, #tpu.memory_space<hbm>> -> memref<1000000x32xf32, #tpu.memory_space<hbm>>
        tpu.wait_indirect_dma semaphore(%arg8 : memref<!tpu.dma_semaphore, #tpu.memory_space<semaphore_mem>>) src(%dma_wait3A_211 : memref<1000000x32xf32, #tpu.memory_space<hbm>>) dst(%dma_wait3A_205 : memref<256x32xf32, #tpu.memory_space<vmem>>)
        %mul3A_212 = arith.constant 4 : i32
        %mul3A_213 = arith.muli %sub3A_172, %mul3A_212 : i32
        %add3A_214 = arith.constant 3 : i32
        %add3A_215 = arith.addi %mul3A_213, %add3A_214 : i32
        %dma_wait3A_216 = arith.constant 768 : i32
        %dma_wait3A_217 = arith.constant 0 : i32
        %dma_wait3A_218 = tpu.memref_slice %arg6[%dma_wait3A_216, %dma_wait3A_217] : memref<1024x32xf32, #tpu.memory_space<vmem>> -> memref<256x32xf32, #tpu.memory_space<vmem>>
        %dma_wait3A_219 = arith.constant 0 : i32
        %dma_wait3A_220 = tpu.memref_slice %arg5[%add3A_215, %dma_wait3A_219] : memref<100x256xi32, #tpu.memory_space<vmem>> -> memref<1x256xi32, #tpu.memory_space<vmem>>
        %dma_wait3A_221 = tpu.memref_squeeze %dma_wait3A_220 : memref<1x256xi32, #tpu.memory_space<vmem>> -> memref<256xi32, #tpu.memory_space<vmem>>
        %dma_wait3A_222 = arith.constant 0 : i32
        %dma_wait3A_223 = arith.constant 0 : i32
        %dma_wait3A_224 = tpu.memref_slice %arg3[%dma_wait3A_222, %dma_wait3A_223] : memref<1000000x32xf32, #tpu.memory_space<hbm>> -> memref<1000000x32xf32, #tpu.memory_space<hbm>>
        tpu.wait_indirect_dma semaphore(%arg8 : memref<!tpu.dma_semaphore, #tpu.memory_space<semaphore_mem>>) src(%dma_wait3A_224 : memref<1000000x32xf32, #tpu.memory_space<hbm>>) dst(%dma_wait3A_218 : memref<256x32xf32, #tpu.memory_space<vmem>>)
        %sub3A_225 = arith.constant 1 : i32
        %sub3A_226 = arith.subi %scan3A_105, %sub3A_225 : i32
        %mul3A_227 = arith.constant 1024 : i32
        %mul3A_228 = arith.muli %sub3A_226, %mul3A_227 : i32
        %add3A_229 = arith.addi %mul3A_2, %mul3A_228 : i32
        %dma_start3A_230 = arith.constant 0 : i32
        %dma_start3A_231 = tpu.memref_slice %arg4[%add3A_229, %dma_start3A_230] : memref<819200x32xf32, #tpu.memory_space<hbm>> -> memref<1024x32xf32, #tpu.memory_space<hbm>>
        %dma_start3A_232 = arith.constant 0 : i32
        %dma_start3A_233 = tpu.memref_slice %arg4[%add3A_229, %dma_start3A_232] : memref<819200x32xf32, #tpu.memory_space<hbm>> -> memref<1024x32xf32, #tpu.memory_space<hbm>>
        tpu.enqueue_dma source(%arg6 : memref<1024x32xf32, #tpu.memory_space<vmem>>) target(%dma_start3A_233 : memref<1024x32xf32, #tpu.memory_space<hbm>>) target_semaphore(%arg10 : memref<!tpu.dma_semaphore, #tpu.memory_space<semaphore_mem>>)
      } else {
      }
      %scan3A_115 = arith.constant 0 : i32
      scf.yield %scan3A_115 : i32
    }
    %scan3A_47 = arith.constant 24 : i32
    %add3A_48 = arith.constant 23552 : i32
    %add3A_49 = arith.addi %mul3A_2, %add3A_48 : i32
    %dma_wait3A = arith.constant 0 : i32
    %dma_wait3A_50 = tpu.memref_slice %arg4[%add3A_49, %dma_wait3A] : memref<819200x32xf32, #tpu.memory_space<hbm>> -> memref<1024x32xf32, #tpu.memory_space<hbm>>
    %dma_wait3A_51 = arith.constant 0 : i32
    %dma_wait3A_52 = tpu.memref_slice %arg4[%add3A_49, %dma_wait3A_51] : memref<819200x32xf32, #tpu.memory_space<hbm>> -> memref<1024x32xf32, #tpu.memory_space<hbm>>
    tpu.wait_dma2 semaphore(%arg11 : memref<!tpu.dma_semaphore, #tpu.memory_space<semaphore_mem>>) src(%arg7 : memref<1024x32xf32, #tpu.memory_space<vmem>>) dst(%dma_wait3A_52 : memref<1024x32xf32, #tpu.memory_space<hbm>>)
    %dma_wait3A_53 = arith.constant 96 : i32
    %dma_wait3A_54 = arith.constant 0 : i32
    %dma_wait3A_55 = arith.constant 0 : i32
    %dma_wait3A_56 = tpu.memref_slice %arg6[%dma_wait3A_54, %dma_wait3A_55] : memref<1024x32xf32, #tpu.memory_space<vmem>> -> memref<256x32xf32, #tpu.memory_space<vmem>>
    %dma_wait3A_57 = arith.constant 0 : i32
    %dma_wait3A_58 = tpu.memref_slice %arg5[%dma_wait3A_53, %dma_wait3A_57] : memref<100x256xi32, #tpu.memory_space<vmem>> -> memref<1x256xi32, #tpu.memory_space<vmem>>
    %dma_wait3A_59 = tpu.memref_squeeze %dma_wait3A_58 : memref<1x256xi32, #tpu.memory_space<vmem>> -> memref<256xi32, #tpu.memory_space<vmem>>
    %dma_wait3A_60 = arith.constant 0 : i32
    %dma_wait3A_61 = arith.constant 0 : i32
    %dma_wait3A_62 = tpu.memref_slice %arg3[%dma_wait3A_60, %dma_wait3A_61] : memref<1000000x32xf32, #tpu.memory_space<hbm>> -> memref<1000000x32xf32, #tpu.memory_space<hbm>>
    tpu.wait_indirect_dma semaphore(%arg8 : memref<!tpu.dma_semaphore, #tpu.memory_space<semaphore_mem>>) src(%dma_wait3A_62 : memref<1000000x32xf32, #tpu.memory_space<hbm>>) dst(%dma_wait3A_56 : memref<256x32xf32, #tpu.memory_space<vmem>>)
    %dma_wait3A_63 = arith.constant 97 : i32
    %dma_wait3A_64 = arith.constant 256 : i32
    %dma_wait3A_65 = arith.constant 0 : i32
    %dma_wait3A_66 = tpu.memref_slice %arg6[%dma_wait3A_64, %dma_wait3A_65] : memref<1024x32xf32, #tpu.memory_space<vmem>> -> memref<256x32xf32, #tpu.memory_space<vmem>>
    %dma_wait3A_67 = arith.constant 0 : i32
    %dma_wait3A_68 = tpu.memref_slice %arg5[%dma_wait3A_63, %dma_wait3A_67] : memref<100x256xi32, #tpu.memory_space<vmem>> -> memref<1x256xi32, #tpu.memory_space<vmem>>
    %dma_wait3A_69 = tpu.memref_squeeze %dma_wait3A_68 : memref<1x256xi32, #tpu.memory_space<vmem>> -> memref<256xi32, #tpu.memory_space<vmem>>
    %dma_wait3A_70 = arith.constant 0 : i32
    %dma_wait3A_71 = arith.constant 0 : i32
    %dma_wait3A_72 = tpu.memref_slice %arg3[%dma_wait3A_70, %dma_wait3A_71] : memref<1000000x32xf32, #tpu.memory_space<hbm>> -> memref<1000000x32xf32, #tpu.memory_space<hbm>>
    tpu.wait_indirect_dma semaphore(%arg8 : memref<!tpu.dma_semaphore, #tpu.memory_space<semaphore_mem>>) src(%dma_wait3A_72 : memref<1000000x32xf32, #tpu.memory_space<hbm>>) dst(%dma_wait3A_66 : memref<256x32xf32, #tpu.memory_space<vmem>>)
    %dma_wait3A_73 = arith.constant 98 : i32
    %dma_wait3A_74 = arith.constant 512 : i32
    %dma_wait3A_75 = arith.constant 0 : i32
    %dma_wait3A_76 = tpu.memref_slice %arg6[%dma_wait3A_74, %dma_wait3A_75] : memref<1024x32xf32, #tpu.memory_space<vmem>> -> memref<256x32xf32, #tpu.memory_space<vmem>>
    %dma_wait3A_77 = arith.constant 0 : i32
    %dma_wait3A_78 = tpu.memref_slice %arg5[%dma_wait3A_73, %dma_wait3A_77] : memref<100x256xi32, #tpu.memory_space<vmem>> -> memref<1x256xi32, #tpu.memory_space<vmem>>
    %dma_wait3A_79 = tpu.memref_squeeze %dma_wait3A_78 : memref<1x256xi32, #tpu.memory_space<vmem>> -> memref<256xi32, #tpu.memory_space<vmem>>
    %dma_wait3A_80 = arith.constant 0 : i32
    %dma_wait3A_81 = arith.constant 0 : i32
    %dma_wait3A_82 = tpu.memref_slice %arg3[%dma_wait3A_80, %dma_wait3A_81] : memref<1000000x32xf32, #tpu.memory_space<hbm>> -> memref<1000000x32xf32, #tpu.memory_space<hbm>>
    tpu.wait_indirect_dma semaphore(%arg8 : memref<!tpu.dma_semaphore, #tpu.memory_space<semaphore_mem>>) src(%dma_wait3A_82 : memref<1000000x32xf32, #tpu.memory_space<hbm>>) dst(%dma_wait3A_76 : memref<256x32xf32, #tpu.memory_space<vmem>>)
    %dma_wait3A_83 = arith.constant 99 : i32
    %dma_wait3A_84 = arith.constant 768 : i32
    %dma_wait3A_85 = arith.constant 0 : i32
    %dma_wait3A_86 = tpu.memref_slice %arg6[%dma_wait3A_84, %dma_wait3A_85] : memref<1024x32xf32, #tpu.memory_space<vmem>> -> memref<256x32xf32, #tpu.memory_space<vmem>>
    %dma_wait3A_87 = arith.constant 0 : i32
    %dma_wait3A_88 = tpu.memref_slice %arg5[%dma_wait3A_83, %dma_wait3A_87] : memref<100x256xi32, #tpu.memory_space<vmem>> -> memref<1x256xi32, #tpu.memory_space<vmem>>
    %dma_wait3A_89 = tpu.memref_squeeze %dma_wait3A_88 : memref<1x256xi32, #tpu.memory_space<vmem>> -> memref<256xi32, #tpu.memory_space<vmem>>
    %dma_wait3A_90 = arith.constant 0 : i32
    %dma_wait3A_91 = arith.constant 0 : i32
    %dma_wait3A_92 = tpu.memref_slice %arg3[%dma_wait3A_90, %dma_wait3A_91] : memref<1000000x32xf32, #tpu.memory_space<hbm>> -> memref<1000000x32xf32, #tpu.memory_space<hbm>>
    tpu.wait_indirect_dma semaphore(%arg8 : memref<!tpu.dma_semaphore, #tpu.memory_space<semaphore_mem>>) src(%dma_wait3A_92 : memref<1000000x32xf32, #tpu.memory_space<hbm>>) dst(%dma_wait3A_86 : memref<256x32xf32, #tpu.memory_space<vmem>>)
    %add3A_93 = arith.constant 24576 : i32
    %add3A_94 = arith.addi %mul3A_2, %add3A_93 : i32
    %dma_start3A_95 = arith.constant 0 : i32
    %dma_start3A_96 = tpu.memref_slice %arg4[%add3A_94, %dma_start3A_95] : memref<819200x32xf32, #tpu.memory_space<hbm>> -> memref<1024x32xf32, #tpu.memory_space<hbm>>
    %dma_start3A_97 = arith.constant 0 : i32
    %dma_start3A_98 = tpu.memref_slice %arg4[%add3A_94, %dma_start3A_97] : memref<819200x32xf32, #tpu.memory_space<hbm>> -> memref<1024x32xf32, #tpu.memory_space<hbm>>
    tpu.enqueue_dma source(%arg6 : memref<1024x32xf32, #tpu.memory_space<vmem>>) target(%dma_start3A_98 : memref<1024x32xf32, #tpu.memory_space<hbm>>) target_semaphore(%arg10 : memref<!tpu.dma_semaphore, #tpu.memory_space<semaphore_mem>>)
    %add3A_99 = arith.constant 24576 : i32
    %add3A_100 = arith.addi %mul3A_2, %add3A_99 : i32
    %dma_wait3A_101 = arith.constant 0 : i32
    %dma_wait3A_102 = tpu.memref_slice %arg4[%add3A_100, %dma_wait3A_101] : memref<819200x32xf32, #tpu.memory_space<hbm>> -> memref<1024x32xf32, #tpu.memory_space<hbm>>
    %dma_wait3A_103 = arith.constant 0 : i32
    %dma_wait3A_104 = tpu.memref_slice %arg4[%add3A_100, %dma_wait3A_103] : memref<819200x32xf32, #tpu.memory_space<hbm>> -> memref<1024x32xf32, #tpu.memory_space<hbm>>
    tpu.wait_dma2 semaphore(%arg10 : memref<!tpu.dma_semaphore, #tpu.memory_space<semaphore_mem>>) src(%arg6 : memref<1024x32xf32, #tpu.memory_space<vmem>>) dst(%dma_wait3A_104 : memref<1024x32xf32, #tpu.memory_space<hbm>>)
    return
  }
}

</mosaic_0001>

<sc_bundles>
// kernel: kernel.3.cloned.1.call-start
scs
__scs_entry_jumppad:
0x0: {  	(pc) =	sbr.rel $0x88, $3  }
0x1: {  	(tag) =	ssettag $0x0;
	lr =	simm.s32 $0x1  }
0x2: {  	[smem:$0x3F9F] =	sst lr;
	_ =	strace $0xD0000000  }
0x3: {  	_ = 	snop  }
0x4: {  	_ = 	snop  }
0x5: {  	_ = 	snop  }
0x6: {  	_ = 	snop  }
0x7: {  	_ = 	snop  }
__scs_overlays_trampoline_lowered:
0x8: {  	[smem:$0x3FAE] =	sst s0  }
0x9: {  	[smem:$0x3FAF] =	sst s1  }
0xa: {  	[smem:$0x3FB0] =	sst s2  }
0xb: {  	[smem:$0x3FB1] =	sst s3  }
0xc: {  	[smem:$0x3FB2] =	sst s4  }
0xd: {  	[smem:$0x3FB3] =	sst s5  }
0xe: {  	[smem:$0x3FB4] =	sst s6  }
0xf: {  	[smem:$0x3FB5] =	sst s7  }
0x10: {  	[smem:$0x3FB6] =	sst s8  }
0x11: {  	[smem:$0x3FB7] =	sst s9;
	s0 =	simm.s32 @!p0 $0x0  }
0x12: {  	s1 =	sld [smem:$0x3F9D];
	s0 =	simm.s32 @p0 $0x1  }
0x13: {  	[smem:$0x3FB8] =	sst s0;
	s0 =	simm.s32 @!p1 $0x0  }
0x14: {  	s2 =	sld [smem:$0x3F9C];
	s0 =	simm.s32 @p1 $0x1  }
0x15: {  	[smem:$0x3FB9] =	sst s0;
	s0 =	simm.s32 @!p2 $0x0  }
0x16: {  	s3 =	sld [smem:$0x3FDB];
	s0 =	simm.s32 @p2 $0x1  }
0x17: {  	s4 =	simm.s32 $0x1BF5;
	[smem:$0x3FBB] =	sst s0  }
0x18: {  	s0 =	sld [smem:$0x3F9E];
	_ =	swait.ge [sflag:s4], $0x0  }
0x19: {  	s7 =	sld [smem:$0x3F9F]  }
0x1a: {  	s8 =	sadd.s32 $0xFFFFE003, lr  }
0x1b: {  	s9 =	sadd.s32 $0xFFFFFEF7, lr;
	s5 =	simm.s32 $0xFFFFFFFF;
	p2 =	slt.u32 s8, $0xFFFFF086  }
0x1c: {  	p1 =	slt.u32 s9, $0xF7A;
	s5 =	simm.s32 @!p2 $0x0  }
0x1d: {  	s5 =	simm.s32 @p1 $0x1;
	p0 =	seq.s32 s7, s2  }
0x1e: {  	s7 =	smul.u32 @!p0 $0xF7A, s2;
	p2 =	seq.s32 @!p0 s5, $0x0  }
0x1f: {  	s9 =	smul.u32 $0xF7A, s1;
	s8 =	simm.s32 @!p0 $0x1BF5;
	p2 =	por !p2, p0  }
0x20: {  	[sflag:s8] =	ssyncset.s32 @!p0 $0xFFFFF086;
	s6 =	sadd.s32 @!p0 s3, s7;
	s7 =	simm.s32 @!p0 $0x108  }
0x21: {  	s3 =	sadd.s32 s3, s9;
	s6 =	sadd.s32 @!p0 $0x88, s6;
	s7 =	simm.s32 @p2 $0x1082  }
0x22: {  	[simem:s7], [sflag:s8] =	dma.local @!p0 [hbm:s6], $0xF7A  }
0x23: {  	s9 =	sor.u32 $0xD0000000, s2;
	s6 =	simm.s32 $0x108;
	_ =	swait.ge @!p0 [sflag:s8], $0x0  }
0x24: {  	s3 =	sadd.s32 $0x88, s3;
	s6 =	simm.s32 @!p1 $0x1082;
	[sflag:s4] =	ssyncset.s32 $0xFFFFF086  }
0x25: {  	[simem:s6], [sflag:s4] =	dma.local [hbm:s3], $0xF7A  }
0x26: {  	[smem:$0x3F9F] =	sst s1;
	(tag) =	ssettag s2;
	_ =	strace s9  }
0x27: {  	s1 =	sld [smem:$0x3FAF]  }
0x28: {  	s2 =	sld [smem:$0x3FB0]  }
0x29: {  	s4 =	sld [smem:$0x3FB2]  }
0x2a: {  	p0 =	seq.s32 s5, $0x0;
	s5 =	sld [smem:$0x3FB3]  }
0x2b: {  	s6 =	sld [smem:$0x3FB4]  }
0x2c: {  	s7 =	sld [smem:$0x3FB5]  }
0x2d: {  	s3 =	simm.s32 $0x108;
	s8 =	sld [smem:$0x3FB6]  }
0x2e: {  	s3 =	simm.s32 @!p0 $0x1082;
	s9 =	sld [smem:$0x3FB7]  }
0x2f: {  	lr =	sadd.s32 s0, s3;
	s0 =	sld [smem:$0x3FAE]  }
0x30: {  	s3 =	sld [smem:$0x3FB1]  }
0x31: {  	[smem:$0x3FBA] =	sst s10  }
0x32: {  	s10 =	sld [smem:$0x3FB8];
	_ =	sdelay $0x3  }
0x33: {  	p0 =	seq.s32 s10, $0x1;
	s10 =	sld [smem:$0x3FBA];
	_ =	sdelay $0x3  }
0x34: {  	[smem:$0x3FBA] =	sst s10  }
0x35: {  	s10 =	sld [smem:$0x3FB9];
	_ =	sdelay $0x3  }
0x36: {  	p1 =	seq.s32 s10, $0x1;
	s10 =	sld [smem:$0x3FBA];
	_ =	sdelay $0x3  }
0x37: {  	[smem:$0x3FBA] =	sst s10  }
0x38: {  	s10 =	sld [smem:$0x3FBB]  }
0x39: {  	_ = 	snop;
	(pc) =	sbr.ind lr, $3  }
0x3a: {  	_ = 	snop  }
0x3b: {  	_ = 	snop  }
0x3c: {  	p2 =	seq.s32 s10, $0x1;
	s10 =	sld [smem:$0x3FBA]  }
0x3d: {  	_ =	shalt  }
0x3e: {  	_ =	shalt  }
0x3f: {  	_ =	shalt  }
0x40: {  	_ =	shalt  }
0x41: {  	_ =	shalt  }
0x42: {  	_ =	shalt  }
0x43: {  	_ =	shalt  }
0x44: {  	_ =	shalt  }
0x45: {  	_ =	shalt  }
0x46: {  	_ =	shalt  }
0x47: {  	_ =	shalt  }
0x48: {  	_ =	shalt  }
0x49: {  	_ =	shalt  }
0x4a: {  	_ =	shalt  }
0x4b: {  	_ =	shalt  }
0x4c: {  	_ =	shalt  }
0x4d: {  	_ =	shalt  }
0x4e: {  	_ =	shalt  }
0x4f: {  	_ =	shalt  }
0x50: {  	_ =	shalt  }
0x51: {  	_ =	shalt  }
0x52: {  	_ =	shalt  }
0x53: {  	_ =	shalt  }
0x54: {  	_ =	shalt  }
0x55: {  	_ =	shalt  }
0x56: {  	_ =	shalt  }
0x57: {  	_ =	shalt  }
0x58: {  	_ =	shalt  }
0x59: {  	_ =	shalt  }
0x5a: {  	_ =	shalt  }
0x5b: {  	_ =	shalt  }
0x5c: {  	_ =	shalt  }
0x5d: {  	_ =	shalt  }
0x5e: {  	_ =	shalt  }
0x5f: {  	_ =	shalt  }
0x60: {  	_ =	shalt  }
0x61: {  	_ =	shalt  }
0x62: {  	_ =	shalt  }
0x63: {  	_ =	shalt  }
0x64: {  	_ =	shalt  }
0x65: {  	_ =	shalt  }
0x66: {  	_ =	shalt  }
0x67: {  	_ =	shalt  }
0x68: {  	_ =	shalt  }
0x69: {  	_ =	shalt  }
0x6a: {  	_ =	shalt  }
0x6b: {  	_ =	shalt  }
0x6c: {  	_ =	shalt  }
0x6d: {  	_ =	shalt  }
0x6e: {  	_ =	shalt  }
0x6f: {  	_ =	shalt  }
0x70: {  	_ =	shalt  }
0x71: {  	_ =	shalt  }
0x72: {  	_ =	shalt  }
0x73: {  	_ =	shalt  }
0x74: {  	_ =	shalt  }
0x75: {  	_ =	shalt  }
0x76: {  	_ =	shalt  }
0x77: {  	_ =	shalt  }
0x78: {  	_ =	shalt  }
0x79: {  	_ =	shalt  }
0x7a: {  	_ =	shalt  }
0x7b: {  	_ =	shalt  }
0x7c: {  	_ =	shalt  }
0x7d: {  	_ =	shalt  }
0x7e: {  	_ =	shalt  }
0x7f: {  	_ =	shalt  }
0x80: {  	_ =	shalt  }
0x81: {  	_ =	shalt  }
0x82: {  	_ =	shalt  }
0x83: {  	_ =	shalt  }
0x84: {  	_ =	shalt  }
0x85: {  	_ =	shalt  }
0x86: {  	_ =	shalt  }
0x87: {  	_ =	shalt  }
.Lfunc_end0:
.L_simem_size_0:
called_computation.1_lowered:
.L_overlay_start_0:
0x88: {  	s2 =	sld [smem:$0x3FD9]  }
0x89: {  	s3 =	sld [smem:$0x3FFE];
	_ =	sdelay $0x1  }
0x8a: {  	s1 =	srdreg.scid  }
0x8b: {  	s0 =	sand.u32 $0x1, s1  }
0x8c: {  	s17 =	sshll.u32 s0, $0xA;
	s2 =	sadd.s32 s3, s2  }
0x8d: {  	s2 =	sadd.s32 s2, s17  }
0x8e: {  	[smem:$0x3FC6] =	sst s2  }
0x8f: {  	_ = 	snop  }
0x90: {  	s2 =	sld [smem:$0x3FD0];
	(tm) =	ssettm $0x1  }
0x91: {  	s18 =	sld [smem:$0x3FFB];
	_ =	sdelay $0x3  }
0x92: {  	_ =	strace s18  }
0x93: {  	s3 =	sld [smem:$0x3FFC];
	_ =	sdelay $0x3  }
0x94: {  	_ =	strace s3  }
0x95: {  	s3 =	sld [smem:$0x3FFD];
	_ =	sdelay $0x3  }
0x96: {  	_ =	strace s3  }
0x97: {  	_ =	strace $0x8FFFFFFF  }
0x98: {  	s19 =	sld [smem:$0x3FDB];
	_ =	sdelay $0x1  }
0x99: {  	s4 =	simm.s32 $_scs_section_size  }
0x9a: {  	s5 =	simm.s32 $_size__tile_overlayer_lowered;
	s6 =	simm.s32 $_tile_overlayer_lowered  }
0x9b: {  	s22 =	simm.s32 $0x1BFF;
	s21 =	sshll.u32 s6, $0x1;
	s3 =	sadd.s32 s4, s19  }
0x9c: {  	s7 =	simm.s32 $0x0;
	s20 =	sshll.u32 s5, $0x1;
	s5 =	sadd.s32 s21, s3  }
0x9d: {  	[timem:s7], [sflag:s22] =	dma.local [hbm:s5], s20  }
0x9e: {  	_ =	swait.ge [sflag:s22], s20  }
0x9f: {  	s4 =	ssub.s32 $0x0, s20;
	[sflag:s22] =	ssyncset.done $0x0  }
0xa0: {  	[sflag:s22] =	ssyncadd.s32 s4;
	_ =	sdelay $0x1  }
0xa1: {  	s23 =	simm.s32 $0x1B8B  }
0xa2: {  	_ =	swait.ge [sflag:s23], $0x1  }
0xa3: {  	[sflag:s23] =	ssyncset.done $0x0  }
0xa4: {  	s25 =	simm.s32 $0x1B8E;
	s24 =	sld [smem:$0x3FFE];
	[sflag:s23] =	ssyncadd.s32 $0xFFFFFFFF  }
0xa5: {  	s26 =	simm.s32 $execute0_lowered;
	[smem:$0x3FD2] =	sst s25  }
0xa6: {  	s5 =	sshll.u32 s26, $0x1;
	_ =	strace $0x80000046;
	[dreg:$0x1] =	wrdreg $0xFFFFFFFF  }
0xa7: {  	s28 =	simm.s32 $_size_execute0_lowered;
	s3 =	sadd.s32 s3, s5;
	[dreg:$0x0] =	wrdreg $0x0  }
0xa8: {  	s5 =	sshll.u32 s28, $0x1;
	[dreg:$0x2] =	wrdreg s3  }
0xa9: {  	[dreg:$0x3] =	wrdreg s5  }
0xaa: {  	[dreg:$0x4] =	wrdreg $0xC0  }
0xab: {  	_ =	task [dreg:s7], $0x5FFFF  }
0xac: {  	[dreg:$0x1] =	wrdreg $0xFFFFFFFF  }
0xad: {  	[dreg:$0x0] =	wrdreg $0x60  }
0xae: {  	[dreg:$0x2] =	wrdreg s24  }
0xaf: {  	[dreg:$0x3] =	wrdreg s2  }
0xb0: {  	[dreg:$0x4] =	wrdreg $0x9  }
0xb1: {  	_ =	task.clear_ibuf [dreg:s7], $0x5FFFF;
	_ =	strace $0x90000046  }
0xb2: {  	s29 =	simm.s32 $0x9;
	_ =	strace $0x80000048  }
0xb3: {  	_ =	swait.ge [sflag:s29], $0x1  }
0xb4: {  	[sflag:s29] =	ssyncadd.s32 $0xFFFFFFFF  }
0xb5: {  	_ =	strace $0x90000048  }
0xb6: {  	_ =	sfence  }
0xb7: {  	s30 =	sld [smem:$0x0];
	_ =	sdelay $0x2  }
0xb8: {  	s31 =	sshll.u32 s1, $0xD;
	s1 =	sshrl.u32 s1, $0x2  }
0xb9: {  	s3 =	sand.u32 $0x4000, s31;
	s1 =	sadd.s32 s1, s30  }
0xba: {  	s0 =	sor.u32 s3, s0;
	s1 =	sshll.u32 s1, $0x11  }
0xbb: {  	s0 =	sor.u32 s1, s0  }
0xbc: {  	s0 =	sadd.s32 $0x8F2B, s0  }
0xbd: {  	[sflag:s0] =	ssyncadd.remote.s32 $0x1  }
0xbe: {  	_ =	sfence.sel $0xFFFF  }
0xbf: {  	[dreg:$0x0] =	wrdreg $0xFFFFFFFF;
	(pc) =	sbr.abs _section_cstart, $3  }
0xc0: {  	[dreg:$0x1] =	wrdreg $0xFFFFFFFF  }
0xc1: {  	_ =	task.clear_ibuf [dreg:s7], $0x2FFFF;
	_ =	strace $0x9FFFFFFF  }
0xc2: {  	(tm) =	ssettm $0x7FFFFFFF  }
0xc3: {  	_ =	shalt  }
tec
execute0_lowered:
.L_overlay_start_1:
0x0: {  	(tag) =	ssettag $0x1  }
0x1: {  	s0 =	srdreg.scid  }
0x2: {  	s7 =	stileid.u32;
	s1 =	rddreg [dreg:$0x0]  }
0x3: {  	s8 =	rddreg [dreg:$0x1];
	s11 =	simm.s32 $0x6400;
	s20 =	simm.s32 $0x10400  }
0x4: {  	s21 =	simm.s32 $0x600;
	s22 =	simm.s32 $0x12400;
	s23 =	simm.s32 $0x700  }
0x5: {  	s24 =	simm.s32 $0x14400;
	s25 =	simm.s32 $0x1;
	s26 =	simm.s32 $0x4  }
0x6: {  	s0 =	sand.u32 $0x1, s0;
	s2 =	sshll.u32 s7, $0x1;
	s7 =	smul.u32 $0x32000, s7  }
0x7: {  	s4 =	sor.u32 s0, s2;
	s6 =	ssub.s32 $0x2, s0;
	s0 =	smul.u32 $0x19000, s0  }
0x8: {  	s28 =	simm.s32 $0x3;
	s2 =	simm.s32 $0x0;
	s3 =	smul.u32 $0xC80, s4  }
0x9: {  	s29 =	simm.s32 $0x0;
	[smem:$0x7FF] =	sst s2;
	s5 =	smul.u32 $0xC8000, s4  }
0xa: {  	s10 =	sshrl.u32 s6, $0x1;
	s31 =	smul.u32 $0x19000, s4;
	_ =	strace $0x80000047  }
0xb: {  	s30 =	ssub.s32 s6, s10;
	s0 =	sadd.s32 s0, s7;
	s10 =	simm.s32 $0x100  }
0xc: {  	s9 =	sadd.s32 s3, s1;
	s3 =	sadd.s32 $0xF42E00, s1;
	s5 =	sshrl.u32 s5, $0x3  }
0xd: {  	s0 =	sadd.s32 $0x20001000, s0;
	s6 =	smax.u32 s30, $0x1;
	s7 =	sadd.s32 s8, s31  }
0xe: {  	s5 =	sadd.s32 s8, s5;
	s4 =	sadd.s32 $0xA00, s9;
	s0 =	sand.u32 $0xFFF000, s0  }
0xf: {  	s9 =	simm.s32 $0x5;
	s5 =	sadd.s32 $0x18000, s5;
	s8 =	sadd.s32 s0, s8  }
.LBB2_1:
0x10: {  	[tilespmem:s2], [sflag:$0x5] =	stream.linear.gather [hbm4b:s4+s2], $0x6400, $0x38;
	[tilespmem:$0x16400] =	vst v63  }
0x11: {  	_ =	swait.ge [sflag:s9], $0x6400  }
0x12: {  	[sflag:s9] =	ssyncset.done $0x0  }
0x13: {  	[sflag:s9] =	ssyncadd.s32 $0xFFFF9C00  }
0x14: {  	[tilespmem:s11], [sflag:$0x1] =	stream.indirect.gather [hbm4b:s3+s10], $0x20, s2, s10, $0xb8;
	[tilespmem:$0x16400] =	vst v63  }
0x15: {  	s0 =	simm.s32 $0x8400  }
0x16: {  	[tilespmem:s0], [sflag:$0x1] =	stream.indirect.gather [hbm4b:s3+s10], $0x20, s10, s10, $0xb8;
	[tilespmem:$0x16400] =	vst v63  }
0x17: {  	s12 =	simm.s32 $0x200;
	s1 =	simm.s32 $0xA400  }
0x18: {  	[tilespmem:s1], [sflag:$0x1] =	stream.indirect.gather [hbm4b:s3+s10], $0x20, s12, s10, $0xb8;
	[tilespmem:$0x16400] =	vst v63  }
0x19: {  	s13 =	simm.s32 $0x300;
	s14 =	simm.s32 $0xC400  }
0x1a: {  	[tilespmem:s14], [sflag:$0x1] =	stream.indirect.gather [hbm4b:s3+s10], $0x20, s13, s10, $0xb8;
	[tilespmem:$0x16400] =	vst v63  }
0x1b: {  	s15 =	simm.s32 $0x400;
	s16 =	simm.s32 $0xE400  }
0x1c: {  	[tilespmem:s16], [sflag:$0x2] =	stream.indirect.gather [hbm4b:s3+s10], $0x20, s15, s10, $0xb8;
	[tilespmem:$0x16400] =	vst v63  }
0x1d: {  	s17 =	simm.s32 $0x500  }
0x1e: {  	[tilespmem:s20], [sflag:$0x2] =	stream.indirect.gather [hbm4b:s3+s10], $0x20, s17, s10, $0xb8;
	[tilespmem:$0x16400] =	vst v63  }
0x1f: {  	_ = 	snop  }
0x20: {  	[tilespmem:s22], [sflag:$0x2] =	stream.indirect.gather [hbm4b:s3+s10], $0x20, s21, s10, $0xb8;
	[tilespmem:$0x16400] =	vst v63  }
0x21: {  	_ = 	snop  }
0x22: {  	[tilespmem:s24], [sflag:$0x2] =	stream.indirect.gather [hbm4b:s3+s10], $0x20, s23, s10, $0xb8;
	[tilespmem:$0x16400] =	vst v63  }
0x23: {  	_ =	swait.ge [sflag:s25], $0x2000  }
0x24: {  	[sflag:s25] =	ssyncset.done $0x0  }
0x25: {  	[sflag:s25] =	ssyncadd.s32 $0xFFFFE000  }
0x26: {  	_ =	swait.ge [sflag:s25], $0x2000  }
0x27: {  	[sflag:s25] =	ssyncset.done $0x0  }
0x28: {  	[sflag:s25] =	ssyncadd.s32 $0xFFFFE000  }
0x29: {  	_ =	swait.ge [sflag:s25], $0x2000  }
0x2a: {  	[sflag:s25] =	ssyncset.done $0x0  }
0x2b: {  	s18 =	simm.s32 $0x2;
	[sflag:s25] =	ssyncadd.s32 $0xFFFFE000  }
0x2c: {  	s0 =	sand.u32 $0x1, s18;
	_ =	swait.ge [sflag:s25], $0x2000  }
0x2d: {  	p0 =	seq.s32 s0, $0x1;
	[sflag:s25] =	ssyncset.done $0x0  }
0x2e: {  	s0 =	simm.s32 @p0 $0x4;
	[sflag:s25] =	ssyncadd.s32 $0xFFFFE000  }
0x2f: {  	[hbm4b:s7+s2] =	stream.linear.scatter [tilespmem:s11], [sflag:$0x3], $0x8000, $0x38;
	[tilespmem:$0x16400] =	vst v63  }
0x30: {  	_ =	swait.ge @p0 [sflag:s0], $0x8000;
	p0 =	por p0, p0  }
0x31: {  	s12 =	simm.s32 $0x800;
	[sflag:s0] =	ssyncset.done @p0 $0x0  }
0x32: {  	s1 =	simm.s32 @p0 $0xE400;
	[sflag:s0] =	ssyncadd.s32 @p0 $0xFFFF8000;
	s0 =	simm.s32 @p0 $0x100  }
0x33: {  	[tilespmem:s1], [sflag:$0x2] =	stream.indirect.gather @p0 [hbm4b:s3+s0], $0x20, s12, s0, $0xb8;
	[tilespmem:$0x16400] =	vst v63  }
0x34: {  	s13 =	simm.s32 @p0 $0x10400;
	s1 =	simm.s32 $0x900  }
0x35: {  	[tilespmem:s13], [sflag:$0x2] =	stream.indirect.gather @p0 [hbm4b:s3+s0], $0x20, s1, s0, $0xb8;
	[tilespmem:$0x16400] =	vst v63  }
0x36: {  	s14 =	simm.s32 @p0 $0x12400;
	s13 =	simm.s32 $0xA00  }
0x37: {  	[tilespmem:s14], [sflag:$0x2] =	stream.indirect.gather @p0 [hbm4b:s3+s0], $0x20, s13, s0, $0xb8;
	[tilespmem:$0x16400] =	vst v63  }
0x38: {  	s15 =	simm.s32 @p0 $0x14400;
	s30 =	simm.s32 @p0 $0x1;
	s14 =	simm.s32 $0xB00  }
0x39: {  	[tilespmem:s15], [sflag:$0x2] =	stream.indirect.gather @p0 [hbm4b:s3+s0], $0x20, s14, s0, $0xb8;
	[tilespmem:$0x16400] =	vst v63  }
0x3a: {  	_ =	swait.ge @p0 [sflag:s30], $0x2000  }
0x3b: {  	[sflag:s30] =	ssyncset.done @p0 $0x0  }
0x3c: {  	[sflag:s30] =	ssyncadd.s32 @p0 $0xFFFFE000  }
0x3d: {  	_ =	swait.ge @p0 [sflag:s30], $0x2000  }
0x3e: {  	[sflag:s30] =	ssyncset.done @p0 $0x0  }
0x3f: {  	[sflag:s30] =	ssyncadd.s32 @p0 $0xFFFFE000  }
0x40: {  	_ =	swait.ge @p0 [sflag:s30], $0x2000  }
0x41: {  	[sflag:s30] =	ssyncset.done @p0 $0x0  }
0x42: {  	[sflag:s30] =	ssyncadd.s32 @p0 $0xFFFFE000  }
0x43: {  	_ =	swait.ge @p0 [sflag:s30], $0x2000  }
0x44: {  	s0 =	simm.s32 @p0 $0x6400;
	[sflag:s30] =	ssyncset.done @p0 $0x0  }
0x45: {  	s15 =	sadd.s32 @p0 $0x0, s8;
	[sflag:s30] =	ssyncadd.s32 @p0 $0xFFFFE000;
	s30 =	simm.s32 @p0 $0x0  }
0x46: {  	[hbm4b:s15+s30] =	stream.linear.scatter @p0 [tilespmem:s0], [sflag:$0x3], $0x8000, $0x38;
	[tilespmem:$0x16400] =	vst v63  }
0x47: {  	s0 =	simm.s32 @!p0 $0x3  }
0x48: {  	_ =	swait.ge @!p0 [sflag:s0], $0x8000  }
0x49: {  	[sflag:s0] =	ssyncset.done @!p0 $0x0  }
0x4a: {  	s15 =	simm.s32 @!p0 $0x6400;
	[sflag:s0] =	ssyncadd.s32 @!p0 $0xFFFF8000;
	s0 =	simm.s32 @!p0 $0x100  }
0x4b: {  	[tilespmem:s15], [sflag:$0x1] =	stream.indirect.gather @!p0 [hbm4b:s3+s0], $0x20, s12, s0, $0xb8;
	[tilespmem:$0x16400] =	vst v63  }
0x4c: {  	s12 =	simm.s32 @!p0 $0x8400  }
0x4d: {  	[tilespmem:s12], [sflag:$0x1] =	stream.indirect.gather @!p0 [hbm4b:s3+s0], $0x20, s1, s0, $0xb8;
	[tilespmem:$0x16400] =	vst v63  }
0x4e: {  	s1 =	simm.s32 @!p0 $0xA400  }
0x4f: {  	[tilespmem:s1], [sflag:$0x1] =	stream.indirect.gather @!p0 [hbm4b:s3+s0], $0x20, s13, s0, $0xb8;
	[tilespmem:$0x16400] =	vst v63  }
0x50: {  	s12 =	simm.s32 @!p0 $0x2;
	s1 =	simm.s32 @!p0 $0xC400  }
0x51: {  	[tilespmem:s1], [sflag:$0x1] =	stream.indirect.gather @!p0 [hbm4b:s3+s0], $0x20, s14, s0, $0xb8;
	[tilespmem:$0x16400] =	vst v63  }
0x52: {  	_ =	swait.ge @!p0 [sflag:s12], $0x2000  }
0x53: {  	[sflag:s12] =	ssyncset.done @!p0 $0x0  }
0x54: {  	[sflag:s12] =	ssyncadd.s32 @!p0 $0xFFFFE000  }
0x55: {  	_ =	swait.ge @!p0 [sflag:s12], $0x2000  }
0x56: {  	[sflag:s12] =	ssyncset.done @!p0 $0x0  }
0x57: {  	[sflag:s12] =	ssyncadd.s32 @!p0 $0xFFFFE000  }
0x58: {  	_ =	swait.ge @!p0 [sflag:s12], $0x2000  }
0x59: {  	s31 =	simm.s32 $0x2000;
	s30 =	simm.s32 $0x1000;
	[sflag:s12] =	ssyncset.done @!p0 $0x0  }
0x5a: {  	s15 =	sadd.s32 @!p0 $0x0, s8;
	s1 =	simm.s32 $0x3;
	[sflag:s12] =	ssyncadd.s32 @!p0 $0xFFFFE000  }
0x5b: {  	s13 =	simm.s32 @!p0 $0xE400;
	s19 =	sand.u32 $0x1, s1;
	_ =	swait.ge @!p0 [sflag:s12], $0x2000  }
0x5c: {  	s14 =	simm.s32 @!p0 $0x0;
	p2 =	seq.s32 s19, $0x1;
	[sflag:s12] =	ssyncset.done @!p0 $0x0  }
.LBB2_2:
0x5d: {  	s16 =	simm.s32 @p2 $0x4;
	[sflag:s12] =	ssyncadd.s32 @!p0 $0xFFFFE000  }
0x5e: {  	s0 =	smov.u32 s30;
	s30 =	smov.u32 s31;
	s31 =	sadd.s32 $0x1000, s31  }
0x5f: {  	[hbm4b:s15+s14] =	stream.linear.scatter @!p0 [tilespmem:s13], [sflag:$0x4], $0x8000, $0x38;
	[tilespmem:$0x16400] =	vst v63  }
0x60: {  	p1 =	sne.s32 s31, $0x17000;
	p0 =	por p2, p2;
	_ =	swait.ge @p2 [sflag:s16], $0x8000  }
0x61: {  	s12 =	sshra.s32 s0, $0x2;
	s13 =	simm.s32 @p0 $0xE400;
	[sflag:s16] =	ssyncset.done @p0 $0x0  }
0x62: {  	s14 =	sadd.s32 $0x800, s12;
	s15 =	simm.s32 @p0 $0x100;
	[sflag:s16] =	ssyncadd.s32 @p0 $0xFFFF8000  }
0x63: {  	[tilespmem:s13], [sflag:$0x2] =	stream.indirect.gather @p0 [hbm4b:s3+s15], $0x20, s14, s15, $0xb8;
	[tilespmem:$0x16400] =	vst v63  }
0x64: {  	s16 =	simm.s32 @p0 $0x10400;
	s13 =	sadd.s32 $0x900, s12  }
0x65: {  	[tilespmem:s16], [sflag:$0x2] =	stream.indirect.gather @p0 [hbm4b:s3+s15], $0x20, s13, s15, $0xb8;
	[tilespmem:$0x16400] =	vst v63  }
0x66: {  	s17 =	simm.s32 @p0 $0x12400;
	s16 =	sadd.s32 $0xA00, s12  }
0x67: {  	[tilespmem:s17], [sflag:$0x2] =	stream.indirect.gather @p0 [hbm4b:s3+s15], $0x20, s16, s15, $0xb8;
	[tilespmem:$0x16400] =	vst v63  }
0x68: {  	s18 =	simm.s32 @p0 $0x1;
	s17 =	sadd.s32 $0xB00, s12;
	s12 =	simm.s32 @p0 $0x14400  }
0x69: {  	[tilespmem:s12], [sflag:$0x2] =	stream.indirect.gather @p0 [hbm4b:s3+s15], $0x20, s17, s15, $0xb8;
	[tilespmem:$0x16400] =	vst v63  }
0x6a: {  	_ =	swait.ge @p0 [sflag:s18], $0x2000  }
0x6b: {  	[sflag:s18] =	ssyncset.done @p0 $0x0  }
0x6c: {  	[sflag:s18] =	ssyncadd.s32 @p0 $0xFFFFE000  }
0x6d: {  	_ =	swait.ge @p0 [sflag:s18], $0x2000  }
0x6e: {  	[sflag:s18] =	ssyncset.done @p0 $0x0  }
0x6f: {  	[sflag:s18] =	ssyncadd.s32 @p0 $0xFFFFE000  }
0x70: {  	_ =	swait.ge @p0 [sflag:s18], $0x2000  }
0x71: {  	[sflag:s18] =	ssyncset.done @p0 $0x0  }
0x72: {  	[sflag:s18] =	ssyncadd.s32 @p0 $0xFFFFE000  }
0x73: {  	_ =	swait.ge @p0 [sflag:s18], $0x2000  }
0x74: {  	s12 =	simm.s32 @p0 $0x6400;
	s15 =	simm.s32 @!p0 $0x3;
	[sflag:s18] =	ssyncset.done @p0 $0x0  }
0x75: {  	s19 =	simm.s32 @p0 $0x0;
	[sflag:s18] =	ssyncadd.s32 @p0 $0xFFFFE000;
	s18 =	sadd.s32 @p0 s0, s8  }
0x76: {  	[hbm4b:s18+s19] =	stream.linear.scatter @p0 [tilespmem:s12], [sflag:$0x3], $0x8000, $0x38;
	[tilespmem:$0x16400] =	vst v63  }
0x77: {  	_ =	swait.ge @!p0 [sflag:s15], $0x8000  }
0x78: {  	[sflag:s15] =	ssyncset.done @!p0 $0x0  }
0x79: {  	s12 =	simm.s32 @!p0 $0x6400;
	[sflag:s15] =	ssyncadd.s32 @!p0 $0xFFFF8000;
	s15 =	simm.s32 @!p0 $0x100  }
0x7a: {  	[tilespmem:s12], [sflag:$0x1] =	stream.indirect.gather @!p0 [hbm4b:s3+s15], $0x20, s14, s15, $0xb8;
	[tilespmem:$0x16400] =	vst v63  }
0x7b: {  	s12 =	simm.s32 @!p0 $0x8400  }
0x7c: {  	[tilespmem:s12], [sflag:$0x1] =	stream.indirect.gather @!p0 [hbm4b:s3+s15], $0x20, s13, s15, $0xb8;
	[tilespmem:$0x16400] =	vst v63  }
0x7d: {  	s12 =	simm.s32 @!p0 $0xA400  }
0x7e: {  	[tilespmem:s12], [sflag:$0x1] =	stream.indirect.gather @!p0 [hbm4b:s3+s15], $0x20, s16, s15, $0xb8;
	[tilespmem:$0x16400] =	vst v63  }
0x7f: {  	s13 =	simm.s32 @!p0 $0xC400;
	s12 =	simm.s32 @!p0 $0x2  }
0x80: {  	[tilespmem:s13], [sflag:$0x1] =	stream.indirect.gather @!p0 [hbm4b:s3+s15], $0x20, s17, s15, $0xb8;
	[tilespmem:$0x16400] =	vst v63  }
0x81: {  	_ =	swait.ge @!p0 [sflag:s12], $0x2000  }
0x82: {  	[sflag:s12] =	ssyncset.done @!p0 $0x0  }
0x83: {  	[sflag:s12] =	ssyncadd.s32 @!p0 $0xFFFFE000  }
0x84: {  	_ =	swait.ge @!p0 [sflag:s12], $0x2000  }
0x85: {  	[sflag:s12] =	ssyncset.done @!p0 $0x0  }
0x86: {  	[sflag:s12] =	ssyncadd.s32 @!p0 $0xFFFFE000  }
.Ltmp0:
0x87: {  	_ =	swait.ge @!p0 [sflag:s12], $0x2000;
	(pc) =	sbr.rel @p1 .LBB2_2-.Ltmp0, $4  }
0x88: {  	[sflag:s12] =	ssyncset.done @!p0 $0x0  }
0x89: {  	s1 =	sadd.s32 $0x1, s1;
	s13 =	simm.s32 @!p0 $0xE400;
	[sflag:s12] =	ssyncadd.s32 @!p0 $0xFFFFE000  }
0x8a: {  	s14 =	simm.s32 @!p0 $0x0;
	s15 =	sand.u32 $0x1, s1;
	_ =	swait.ge @!p0 [sflag:s12], $0x2000  }
0x8b: {  	p2 =	seq.s32 s15, $0x1;
	s15 =	sadd.s32 @!p0 s0, s8;
	[sflag:s12] =	ssyncset.done @!p0 $0x0  }
0x8c: {  	s0 =	simm.s32 @p2 $0x4;
	[sflag:s12] =	ssyncadd.s32 @!p0 $0xFFFFE000  }
0x8d: {  	[hbm4b:s15+s14] =	stream.linear.scatter @!p0 [tilespmem:s13], [sflag:$0x4], $0x8000, $0x38;
	[tilespmem:$0x16400] =	vst v63  }
0x8e: {  	s1 =	sshra.s32 s30, $0x2;
	p0 =	por p2, p2;
	_ =	swait.ge @p2 [sflag:s0], $0x8000  }
0x8f: {  	s13 =	sadd.s32 $0x800, s1;
	[sflag:s0] =	ssyncset.done @p0 $0x0  }
0x90: {  	s12 =	simm.s32 @p0 $0xE400;
	[sflag:s0] =	ssyncadd.s32 @p0 $0xFFFF8000;
	s0 =	simm.s32 @p0 $0x100  }
0x91: {  	[tilespmem:s12], [sflag:$0x2] =	stream.indirect.gather @p0 [hbm4b:s3+s0], $0x20, s13, s0, $0xb8;
	[tilespmem:$0x16400] =	vst v63  }
0x92: {  	s14 =	simm.s32 @p0 $0x10400;
	s12 =	sadd.s32 $0x900, s1  }
0x93: {  	[tilespmem:s14], [sflag:$0x2] =	stream.indirect.gather @p0 [hbm4b:s3+s0], $0x20, s12, s0, $0xb8;
	[tilespmem:$0x16400] =	vst v63  }
0x94: {  	s15 =	simm.s32 @p0 $0x12400;
	s14 =	sadd.s32 $0xA00, s1  }
0x95: {  	[tilespmem:s15], [sflag:$0x2] =	stream.indirect.gather @p0 [hbm4b:s3+s0], $0x20, s14, s0, $0xb8;
	[tilespmem:$0x16400] =	vst v63  }
0x96: {  	s16 =	simm.s32 @p0 $0x1;
	s1 =	sadd.s32 $0xB00, s1;
	s15 =	simm.s32 @p0 $0x14400  }
0x97: {  	[tilespmem:s15], [sflag:$0x2] =	stream.indirect.gather @p0 [hbm4b:s3+s0], $0x20, s1, s0, $0xb8;
	[tilespmem:$0x16400] =	vst v63  }
0x98: {  	_ =	swait.ge @p0 [sflag:s16], $0x2000  }
0x99: {  	[sflag:s16] =	ssyncset.done @p0 $0x0  }
0x9a: {  	[sflag:s16] =	ssyncadd.s32 @p0 $0xFFFFE000  }
0x9b: {  	_ =	swait.ge @p0 [sflag:s16], $0x2000  }
0x9c: {  	[sflag:s16] =	ssyncset.done @p0 $0x0  }
0x9d: {  	[sflag:s16] =	ssyncadd.s32 @p0 $0xFFFFE000  }
0x9e: {  	_ =	swait.ge @p0 [sflag:s16], $0x2000  }
0x9f: {  	[sflag:s16] =	ssyncset.done @p0 $0x0  }
0xa0: {  	[sflag:s16] =	ssyncadd.s32 @p0 $0xFFFFE000  }
0xa1: {  	_ =	swait.ge @p0 [sflag:s16], $0x2000  }
0xa2: {  	s17 =	simm.s32 @p0 $0x0;
	s0 =	simm.s32 @p0 $0x6400;
	[sflag:s16] =	ssyncset.done @p0 $0x0  }
0xa3: {  	s15 =	simm.s32 @!p0 $0x3;
	[sflag:s16] =	ssyncadd.s32 @p0 $0xFFFFE000;
	s16 =	sadd.s32 @p0 s30, s8  }
0xa4: {  	[hbm4b:s16+s17] =	stream.linear.scatter @p0 [tilespmem:s0], [sflag:$0x3], $0x8000, $0x38;
	[tilespmem:$0x16400] =	vst v63  }
0xa5: {  	_ =	swait.ge @!p0 [sflag:s15], $0x8000  }
0xa6: {  	[sflag:s15] =	ssyncset.done @!p0 $0x0  }
0xa7: {  	s0 =	simm.s32 @!p0 $0x100;
	[sflag:s15] =	ssyncadd.s32 @!p0 $0xFFFF8000;
	s15 =	simm.s32 @!p0 $0x6400  }
0xa8: {  	[tilespmem:s15], [sflag:$0x1] =	stream.indirect.gather @!p0 [hbm4b:s3+s0], $0x20, s13, s0, $0xb8;
	[tilespmem:$0x16400] =	vst v63  }
0xa9: {  	s13 =	simm.s32 @!p0 $0x8400  }
0xaa: {  	[tilespmem:s13], [sflag:$0x1] =	stream.indirect.gather @!p0 [hbm4b:s3+s0], $0x20, s12, s0, $0xb8;
	[tilespmem:$0x16400] =	vst v63  }
0xab: {  	s12 =	simm.s32 @!p0 $0xA400  }
0xac: {  	[tilespmem:s12], [sflag:$0x1] =	stream.indirect.gather @!p0 [hbm4b:s3+s0], $0x20, s14, s0, $0xb8;
	[tilespmem:$0x16400] =	vst v63  }
0xad: {  	s13 =	simm.s32 @!p0 $0x2;
	s12 =	simm.s32 @!p0 $0xC400  }
0xae: {  	[tilespmem:s12], [sflag:$0x1] =	stream.indirect.gather @!p0 [hbm4b:s3+s0], $0x20, s1, s0, $0xb8;
	[tilespmem:$0x16400] =	vst v63  }
0xaf: {  	_ =	swait.ge @!p0 [sflag:s13], $0x2000  }
0xb0: {  	[sflag:s13] =	ssyncset.done @!p0 $0x0  }
0xb1: {  	[sflag:s13] =	ssyncadd.s32 @!p0 $0xFFFFE000  }
0xb2: {  	_ =	swait.ge @!p0 [sflag:s13], $0x2000  }
0xb3: {  	[sflag:s13] =	ssyncset.done @!p0 $0x0  }
0xb4: {  	[sflag:s13] =	ssyncadd.s32 @!p0 $0xFFFFE000  }
0xb5: {  	_ =	swait.ge @!p0 [sflag:s13], $0x2000  }
0xb6: {  	[sflag:s13] =	ssyncset.done @!p0 $0x0  }
0xb7: {  	[sflag:s13] =	ssyncadd.s32 @!p0 $0xFFFFE000  }
0xb8: {  	_ =	swait.ge @!p0 [sflag:s13], $0x2000  }
0xb9: {  	s0 =	simm.s32 @!p0 $0xE400;
	[sflag:s13] =	ssyncset.done @!p0 $0x0  }
0xba: {  	s1 =	simm.s32 @!p0 $0x0;
	s12 =	sadd.s32 @!p0 s30, s8;
	[sflag:s13] =	ssyncadd.s32 @!p0 $0xFFFFE000  }
0xbb: {  	[hbm4b:s12+s1] =	stream.linear.scatter @!p0 [tilespmem:s0], [sflag:$0x4], $0x8000, $0x38;
	[tilespmem:$0x16400] =	vst v63  }
0xbc: {  	_ =	swait.ge [sflag:s26], $0x8000  }
0xbd: {  	[sflag:s26] =	ssyncset.done $0x0  }
0xbe: {  	[sflag:s26] =	ssyncadd.s32 $0xFFFF8000  }
0xbf: {  	_ =	swait.ge [sflag:s25], $0x2000  }
0xc0: {  	[sflag:s25] =	ssyncset.done $0x0  }
0xc1: {  	[sflag:s25] =	ssyncadd.s32 $0xFFFFE000  }
0xc2: {  	_ =	swait.ge [sflag:s25], $0x2000  }
0xc3: {  	[sflag:s25] =	ssyncset.done $0x0  }
0xc4: {  	[sflag:s25] =	ssyncadd.s32 $0xFFFFE000  }
0xc5: {  	_ =	swait.ge [sflag:s25], $0x2000  }
0xc6: {  	[sflag:s25] =	ssyncset.done $0x0  }
0xc7: {  	[sflag:s25] =	ssyncadd.s32 $0xFFFFE000  }
0xc8: {  	s29 =	sadd.s32 $0x1, s29;
	_ =	swait.ge [sflag:s25], $0x2000  }
0xc9: {  	p0 =	sne.s32 s29, s6;
	[sflag:s25] =	ssyncset.done $0x0  }
.Ltmp1:
0xca: {  	[sflag:s25] =	ssyncadd.s32 $0xFFFFE000;
	(pc) =	sbr.rel @p0 .LBB2_1-.Ltmp1, $4  }
0xcb: {  	[hbm4b:s5+s2] =	stream.linear.scatter [tilespmem:s11], [sflag:$0x3], $0x8000, $0x38;
	[tilespmem:$0x16400] =	vst v63  }
0xcc: {  	_ =	swait.ge [sflag:s28], $0x8000  }
0xcd: {  	[sflag:s28] =	ssyncset.done $0x0  }
0xce: {  	[sflag:s28] =	ssyncadd.s32 $0xFFFF8000  }
0xcf: {  	_ =	sfence.sel $0x180000  }
0xd0: {  	[bflag:$0x0] =	sbarrier.arrive $0xFFFF  }
0xd1: {  	_ =	strace $0x90000047  }
0xd2: {  	s0 =	stileid.u32;
	[bflag:$0x2] =	sbarrier.arrive $0xFFFF  }
0xd3: {  	p0 =	sne.s32 s0, $0x0;
	s0 =	rddreg [dreg:$0x2]  }
0xd4: {  	s0 =	sadd.s32 @!p0 $0x100000, s0  }
0xd5: {  	[sflag:s0] =	ssyncadd.tile.s32 @!p0 $0x1;
	_ =	shalt  }
.Lfunc_end2:
_tile_overlayer_lowered:
.L_overlay_start_2:
0xd6: {  	(tag) =	ssettag $0x2  }
0xd7: {  	s0 =	rddreg [dreg:$0x0];
	s2 =	stileid.u32  }
0xd8: {  	s1 =	rddreg [dreg:$0x1];
	p0 =	sne.s32 s2, $0x0  }
0xd9: {  	s3 =	rddreg [dreg:$0x2];
	[bflag:$0x3] =	sbarrier.arrive $0xFFFF;
	s2 =	simm.s32 @!p0 $0x1C05  }
0xda: {  	[timem:s3], [sflag:s2] =	dma.local @!p0 [hbm:s0], s1  }
0xdb: {  	s0 =	simm.s32 @!p0 $0x5  }
0xdc: {  	_ =	swait.ge @!p0 [sflag:s0], s1  }
0xdd: {  	s1 =	ssub.s32 @!p0 $0x0, s1;
	[sflag:s0] =	ssyncset.done @!p0 $0x0  }
0xde: {  	[sflag:s0] =	ssyncadd.s32 @!p0 s1  }
0xdf: {  	[bflag:$0x3] =	sbarrier.arrive $0xFFFF  }
0xe0: {  	_ =	shalt  }

// kernel: sparse-core-data-format-call.cloned.1.call-start
scs
called_computation_lowered:
.L_overlay_start_0:
0x0: {  	s2 =	sld [smem:$0x3FD9]  }
0x1: {  	s3 =	sld [smem:$0x3FFE];
	_ =	sdelay $0x1  }
0x2: {  	s1 =	srdreg.scid  }
0x3: {  	s0 =	sand.u32 $0x1, s1  }
0x4: {  	s18 =	sshll.u32 s0, $0xA;
	s2 =	sadd.s32 s3, s2  }
0x5: {  	s2 =	sadd.s32 s2, s18  }
0x6: {  	[smem:$0x3FC6] =	sst s2  }
0x7: {  	_ = 	snop  }
0x8: {  	s2 =	sld [smem:$0x3FD0];
	(tm) =	ssettm $0x1  }
0x9: {  	s19 =	sld [smem:$0x3FFB];
	_ =	sdelay $0x3  }
0xa: {  	_ =	strace s19  }
0xb: {  	s3 =	sld [smem:$0x3FFC];
	_ =	sdelay $0x3  }
0xc: {  	_ =	strace s3  }
0xd: {  	s3 =	sld [smem:$0x3FFD];
	_ =	sdelay $0x3  }
0xe: {  	_ =	strace s3  }
0xf: {  	_ =	strace $0x8FFFFFFF  }
0x10: {  	s20 =	sld [smem:$0x3FDB];
	_ =	sdelay $0x1  }
0x11: {  	s4 =	simm.s32 $_scs_section_size  }
0x12: {  	s5 =	simm.s32 $_size__tile_overlayer_lowered;
	s6 =	simm.s32 $_tile_overlayer_lowered  }
0x13: {  	s23 =	simm.s32 $0x1BFF;
	s22 =	sshll.u32 s6, $0x1;
	s3 =	sadd.s32 s4, s20  }
0x14: {  	s7 =	simm.s32 $0x0;
	s21 =	sshll.u32 s5, $0x1;
	s5 =	sadd.s32 s22, s3  }
0x15: {  	[timem:s7], [sflag:s23] =	dma.local [hbm:s5], s21  }
0x16: {  	_ =	swait.ge [sflag:s23], s21  }
0x17: {  	s4 =	ssub.s32 $0x0, s21;
	[sflag:s23] =	ssyncset.done $0x0  }
0x18: {  	[sflag:s23] =	ssyncadd.s32 s4;
	_ =	sdelay $0x1  }
0x19: {  	s24 =	simm.s32 $0x1B8B  }
0x1a: {  	_ =	swait.ge [sflag:s24], $0x1  }
0x1b: {  	[sflag:s24] =	ssyncset.done $0x0  }
0x1c: {  	s26 =	simm.s32 $0x1B8E;
	s25 =	sld [smem:$0x3FFE];
	[sflag:s24] =	ssyncadd.s32 $0xFFFFFFFF  }
0x1d: {  	s27 =	simm.s32 $execute0_lowered;
	[smem:$0x3FD2] =	sst s26  }
0x1e: {  	s5 =	sshll.u32 s27, $0x1;
	_ =	strace $0x80000049;
	[dreg:$0x1] =	wrdreg $0xFFFFFFFF  }
0x1f: {  	s28 =	simm.s32 $_size_execute0_lowered;
	s3 =	sadd.s32 s3, s5;
	[dreg:$0x0] =	wrdreg $0x0  }
0x20: {  	s5 =	sshll.u32 s28, $0x1;
	[dreg:$0x2] =	wrdreg s3  }
0x21: {  	[dreg:$0x3] =	wrdreg s5  }
0x22: {  	[dreg:$0x4] =	wrdreg $0xC0  }
0x23: {  	_ =	task [dreg:s7], $0x5FFFF  }
0x24: {  	[dreg:$0x1] =	wrdreg $0xFFFFFFFF  }
0x25: {  	[dreg:$0x0] =	wrdreg $0x60  }
0x26: {  	[dreg:$0x2] =	wrdreg s25  }
0x27: {  	[dreg:$0x3] =	wrdreg s2  }
0x28: {  	[dreg:$0x4] =	wrdreg $0x9  }
0x29: {  	_ =	task.clear_ibuf [dreg:s7], $0x5FFFF;
	_ =	strace $0x90000049  }
0x2a: {  	s29 =	simm.s32 $0x9;
	_ =	strace $0x8000004B  }
0x2b: {  	_ =	swait.ge [sflag:s29], $0x1  }
0x2c: {  	[sflag:s29] =	ssyncadd.s32 $0xFFFFFFFF  }
0x2d: {  	_ =	strace $0x9000004B  }
0x2e: {  	_ =	sfence  }
0x2f: {  	s30 =	sld [smem:$0x0];
	_ =	sdelay $0x2  }
0x30: {  	s31 =	sshll.u32 s1, $0xD;
	s1 =	sshrl.u32 s1, $0x2  }
0x31: {  	s3 =	sand.u32 $0x4000, s31;
	s1 =	sadd.s32 s1, s30  }
0x32: {  	s0 =	sor.u32 s3, s0;
	s1 =	sshll.u32 s1, $0x11  }
0x33: {  	s0 =	sor.u32 s1, s0  }
0x34: {  	s0 =	sadd.s32 $0x8F2B, s0  }
0x35: {  	[sflag:s0] =	ssyncadd.remote.s32 $0x1  }
0x36: {  	_ =	sfence.sel $0xFFFF  }
0x37: {  	[dreg:$0x0] =	wrdreg $0xFFFFFFFF;
	(pc) =	sbr.abs _section_cstart, $3  }
0x38: {  	[dreg:$0x1] =	wrdreg $0xFFFFFFFF  }
0x39: {  	_ =	task.clear_ibuf [dreg:s7], $0x2FFFF;
	_ =	strace $0x9FFFFFFF  }
0x3a: {  	(tm) =	ssettm $0x7FFFFFFF  }
0x3b: {  	_ =	shalt  }
tec
execute0_lowered:
.L_overlay_start_1:
0x0: {  	(tag) =	ssettag $0x1  }
0x1: {  	s0 =	srdreg.scid  }
0x2: {  	s1 =	sshll.u32 s0, $0x4  }
0x3: {  	s0 =	stileid.u32;
	s1 =	sand.u32 $0x10, s1  }
0x4: {  	s1 =	sor.u32 s0, s1  }
0x5: {  	s6 =	rddreg [dreg:$0x0];
	s4 =	simm.s32 $0x1;
	s2 =	sshll.u32 s1, $0x7  }
0x6: {  	s7 =	simm.s32 $0x2;
	s12 =	simm.s32 $0x0;
	s1 =	ssub.s32 $0x1000, s2  }
0x7: {  	s8 =	simm.s32 $0x8000;
	s13 =	simm.s32 $0x0;
	s3 =	sand.u32 $0xF80, s1  }
0x8: {  	s9 =	simm.s32 $0x0;
	s5 =	sshrl.u32 s1, $0xC;
	p0 =	sne.s32 s3, $0x0  }
.Ltmp0:
0x9: {  	s1 =	rddreg [dreg:$0x2];
	s4 =	simm.s32 @!p0 $0x0;
	(pc) =	sbr.rel .LBB1_1-.Ltmp0, $4  }
0xa: {  	s11 =	simm.s32 $0x0;
	s3 =	rddreg [dreg:$0x1];
	s5 =	sadd.s32 s4, s5  }
0xb: {  	_ =	strace $0x8000004A;
	s4 =	simm.s32 $0x1;
	s5 =	smul.u32 $0xC8, s5  }
0xc: {  	s6 =	sadd.s32 $0xA00, s6;
	s10 =	smov.u32 s2;
	[sflag:s4] =	ssyncpa.u1 $0x0  }
0xd: {  	p0 =	por $0x0, $0x0;
	[sflag:s7] =	ssyncpa.u1 $0x0;
	s7 =	sor.u32 $0x1, s5  }
.LBB1_4:
0xe: {  	s16 =	sshll.u32 s13, $0x3;
	s17 =	sand.u32 $0x78, s13  }
0xf: {  	s30 =	sand.u32 $0x3E00, s13;
	s12 =	sshll.u32 s12, $0xE;
	s16 =	sand.u32 $0xC00, s16  }
0x10: {  	s31 =	sand.u32 $0x7, s13;
	s16 =	sor.u32 s17, s16;
	s17 =	sadd.s32 s3, s30  }
0x11: {  	s13 =	sshll.u32 s31, $0x12;
	s16 =	sshrl.u32 s16, $0x3;
	s12 =	sadd.s32 s12, s17  }
0x12: {  	[tilespmem:s15+$0x0 ss:$0x81] =	vst.msk $0xffff, v0;
	s13 =	sor.u32 $0x400, s13;
	s12 =	sadd.s32 s16, s12  }
0x13: {  	[hbm4b:s12+s13] =	stream.strided.scatter [tilespmem:s14], [sflag:$0x2], $0x1000, s8, s13, $0x20;
	[tilespmem:$0x4040] =	vst v63  }
.LBB1_5:
0x14: {  	s14 =	sadd.s32 $0x1, s9  }
0x15: {  	s12 =	sadd.s32 $0x1000, s10;
	s16 =	smov.u32 s10;
	p2 =	sgt.s32 s14, $0xC7  }
0x16: {  	s16 =	smov.u32 @p2 s12  }
0x17: {  	s14 =	simm.s32 @p2 $0x0;
	p2 =	sgt.s32 s16, $0xFFF  }
0x18: {  	s16 =	smov.u32 @p2 s2;
	p2 =	sne.s32 s11, s7  }
.Ltmp1:
0x19: {  	p1 =	slt.u32 s11, $0x2;
	(pc) =	sbr.rel @!p2 .LBB1_6-.Ltmp1, $4  }
0x1a: {  	s15 =	simm.s32 @!p1 $0x2  }
0x1b: {  	s13 =	smov.u32 s10;
	p0 =	por !p0, !p0;
	_ =	swait.ge @!p1 [sflag:s15], $0x1000  }
0x1c: {  	s12 =	smov.u32 s9;
	[sflag:s15] =	ssyncset.done @!p1 $0x0;
	s9 =	smov.u32 s14  }
0x1d: {  	s11 =	sadd.s32 $0x1, s11;
	[sflag:s15] =	ssyncadd.s32 @!p1 $0xFFFFF000;
	s10 =	smov.u32 s16  }
.LBB1_1:
0x1e: {  	p1 =	sge.u32 s11, s5  }
0x1f: {  	s14 =	sand.u32 @!p1 $0x1FFFFFF, s9  }
0x20: {  	s15 =	smulhi.u32 @!p1 $0x147AE15, s14;
	_ =	sdelay $0x1  }
0x21: {  	s15 =	smul.u32 @!p1 $0xC8, s15  }
0x22: {  	s16 =	sxor.u32 @!p1 $0xFFFFFFFF, s11;
	s17 =	smul.u32 @!p1 $0xC80, s10  }
0x23: {  	s31 =	sadd.s32 $0xFFFFFFFF, s11;
	s16 =	sshll.u32 @!p1 s16, $0xC;
	s14 =	ssub.s32 @!p1 s14, s15  }
0x24: {  	s15 =	sand.u32 @!p1 $0x1000, s16;
	s16 =	sadd.s32 @!p1 s6, s17;
	s14 =	sshll.u32 @!p1 s14, $0x4  }
0x25: {  	s17 =	simm.s32 @!p1 $0x6400;
	s14 =	sadd.s32 @!p1 s14, s16;
	s16 =	simm.s32 @!p1 $0x20  }
0x26: {  	[tilespmem:s15], [sflag:$0x1] =	stream.strided.gather @!p1 [hbm4b:s14+s16], $0x1000, s17, s16, $0x38;
	[tilespmem:$0x4040] =	vst v63  }
0x27: {  	p1 =	sge.u32 s31, s5  }
.Ltmp2:
0x28: {  	_ = 	snop;
	(pc) =	sbr.rel @p1 .LBB1_5-.Ltmp2, $1  }
0x29: {  	_ =	sdelay $0x3  }
0x2a: {  	s14 =	simm.s32 $0x1  }
0x2b: {  	_ =	swait.ge [sflag:s4], $0x1000;
	s14 =	simm.s32 @!p0 $0x0  }
0x2c: {  	[sflag:s4] =	ssyncset.done $0x0;
	s15 =	sshll.u32 s14, $0xC  }
0x2d: {  	[sflag:s4] =	ssyncadd.s32 $0xFFFFF000;
	s18 =	sor.u32 $0x10, s15  }
0x2e: {  	s14 =	smul.u32 $0x4080, s14;
	v1 =	vld [tilespmem:s18+$0x0]  }
0x2f: {  	s30 =	sand.u32 $0x1, s11;
	v0 =	vld [tilespmem:s18+$0xFFFFFFF0]  }
0x30: {  	s15 =	smul.u32 $0x4080, s30;
	s14 =	sshrl.u32 s14, $0x2  }
0x31: {  	s16 =	sor.u32 $0x2000, s14  }
0x32: {  	s31 =	sshrl.u32 s15, $0x2;
	s15 =	sadd.s32 $0x0, s16  }
0x33: {  	s17 =	simm.s32 $0x4;
	s18 =	sadd.s32 $0x20, s18;
	s14 =	sor.u32 $0x2000, s31;
	[tilespmem:s15+$0x810 ss:$0x81] =	vst.msk $0xffff, v1  }
.LBB1_3:
0x34: {  	v1 =	vld [tilespmem:s18+$0x0];
	p1 =	sne.s32 s17, $0x1FC;
	[tilespmem:s15+$0x0 ss:$0x81] =	vst.msk $0xffff, v0;
	s15 =	smov.u32 s17;
	s17 =	sadd.s32 $0x4, s17  }
.Ltmp3:
0x35: {  	v0 =	vld [tilespmem:s18+$0xFFFFFFF0];
	(pc) =	sbr.rel @p1 .LBB1_3-.Ltmp3, $4  }
0x36: {  	_ = 	snop  }
0x37: {  	s15 =	sshra.s32 s15, $0x2  }
0x38: {  	s15 =	sadd.s32 s15, s16  }
0x39: {  	s18 =	sadd.s32 $0x20, s18;
	[tilespmem:s15+$0x810 ss:$0x81] =	vst.msk $0xffff, v1  }
.Ltmp4:
0x3a: {  	_ = 	snop;
	(pc) =	sbr.rel .LBB1_4-.Ltmp4, $1  }
0x3b: {  	_ =	sdelay $0x3  }
.LBB1_6:
0x3c: {  	_ =	sfence.sel $0x180000  }
0x3d: {  	s2 =	simm.s32 $0x1;
	[bflag:$0x0] =	sbarrier.arrive $0xFFFF  }
0x3e: {  	s31 =	simm.s32 $0x2;
	[sflag:s2] =	ssyncpa.u1 $0x1  }
0x3f: {  	[sflag:s31] =	ssyncpa.u1 $0x1  }
0x40: {  	p0 =	sne.s32 s0, $0x0;
	_ =	strace $0x9000004A  }
0x41: {  	s0 =	sadd.s32 @!p0 $0x100000, s1;
	[bflag:$0x2] =	sbarrier.arrive $0xFFFF  }
0x42: {  	[sflag:s0] =	ssyncadd.tile.s32 @!p0 $0x1;
	_ =	shalt  }
.Lfunc_end1:
_tile_overlayer_lowered:
.L_overlay_start_2:
0x43: {  	(tag) =	ssettag $0x2  }
0x44: {  	s0 =	rddreg [dreg:$0x0];
	s2 =	stileid.u32  }
0x45: {  	s1 =	rddreg [dreg:$0x1];
	p0 =	sne.s32 s2, $0x0  }
0x46: {  	s3 =	rddreg [dreg:$0x2];
	[bflag:$0x3] =	sbarrier.arrive $0xFFFF;
	s2 =	simm.s32 @!p0 $0x1C01  }
0x47: {  	[timem:s3], [sflag:s2] =	dma.local @!p0 [hbm:s0], s1  }
0x48: {  	s0 =	simm.s32 @!p0 $0x1  }
0x49: {  	_ =	swait.ge @!p0 [sflag:s0], s1  }
0x4a: {  	s1 =	ssub.s32 @!p0 $0x0, s1;
	[sflag:s0] =	ssyncset.done @!p0 $0x0  }
0x4b: {  	[sflag:s0] =	ssyncadd.s32 @!p0 s1  }
0x4c: {  	[bflag:$0x3] =	sbarrier.arrive $0xFFFF  }
0x4d: {  	_ =	shalt  }

</sc_bundles>
